<compile_context>
chip_gen: v7x
topology: tpu7x:2x2x1
jax: 0.10.2.dev20260603
libtpu: 0.0.44.dev20260713+nightly
codegen_flags: <defaults>
</compile_context>

<pallas_src>
import functools

import jax
import jax.numpy as jnp
from jax import lax
from jax.experimental import pallas as pl
from jax.experimental.pallas import tpu as pltpu
from jax.experimental.pallas import tpu_sc as plsc

_L = 16
_NW = 32
_BPW = 128
_CCHUNK = 200
_LOG_SCALE = 0.6931471805599453 / 8388608.0

_N_SC = _NW * _BPW
_B_TC = 2048



def _tc_focal_body(lt_ref, tgt_ref, out_ref):
    x = lt_ref[...]
    t = tgt_ref[0, 0, :]
    C, B = x.shape
    row = lax.broadcasted_iota(jnp.int32, (C, B), 0)
    sel = jnp.where(row == t[None, :], x, jnp.float32(0.0))
    tgt_logit = jnp.sum(sel, axis=0)
    m = jnp.max(x, axis=0)
    s = jnp.sum(jnp.exp(x - m[None, :]), axis=0)
    lse = m + jnp.log(s)
    log_pt = tgt_logit - lse
    pt = jnp.exp(log_pt)
    out_ref[0, 0, :] = (1.0 - pt) * (1.0 - pt) * log_pt



def _fast_log(s):
    e = plsc.bitcast(s, jnp.int32)
    y = (e - jnp.int32(0x3F800000)).astype(jnp.float32) * jnp.float32(_LOG_SCALE)
    y = y + s * jnp.exp(-y) - 1.0
    y = y + s * jnp.exp(-y) - 1.0
    return y


def _sc_focal_body(col_start, lt_hbm, tgt_hbm, out_hbm, x_v, tgt_v, out_v):
    NC = 2
    C = lt_hbm.shape[0]
    wid = lax.axis_index("s") * NC + lax.axis_index("c")
    cb = col_start + wid * _BPW
    ob = wid * _BPW
    pltpu.sync_copy(tgt_hbm.at[pl.ds(cb, _BPW)], tgt_v)
    iota = lax.broadcasted_iota(jnp.int32, (_L,), 0)
    zero = jnp.zeros((_L,), jnp.float32)
    nchunks = C // _CCHUNK
    NU = _BPW // _L

    def chunk_body(k, carry):
        accs, tvs = carry
        r0 = k * _CCHUNK
        pltpu.sync_copy(lt_hbm.at[pl.ds(r0, _CCHUNK), pl.ds(cb, _BPW)], x_v)

        def class_body(c, accs2):
            return tuple(
                accs2[u] + jnp.exp(x_v[c, pl.ds(u * _L, _L)]) for u in range(NU)
            )

        accs = lax.fori_loop(0, _CCHUNK, class_body, accs)

        new_tvs = []
        for u in range(NU):
            t16 = tgt_v[pl.ds(u * _L, _L)]
            hit = (t16 >= r0) & (t16 < r0 + _CCHUNK)
            idx = jnp.clip(t16 - r0, 0, _CCHUNK - 1)
            g = plsc.load_gather(x_v, [idx, iota + u * _L])
            new_tvs.append(jnp.where(hit, g, tvs[u]))
        return accs, tuple(new_tvs)

    accs, tvs = lax.fori_loop(
        0, nchunks, chunk_body, ((zero,) * NU, (zero,) * NU)
    )
    for u in range(NU):
        lse = _fast_log(accs[u])
        log_pt = tvs[u] - lse
        pt = jnp.exp(log_pt)
        out_v[pl.ds(u * _L, _L)] = (1.0 - pt) * (1.0 - pt) * log_pt
    pltpu.sync_copy(out_v, out_hbm.at[pl.ds(ob, _BPW)])


def kernel(logits, targets):
    N, C = logits.shape
    lt = logits.T
    targets = targets.astype(jnp.int32)
    n_sc = _N_SC
    n_tc = N - n_sc

    mesh = plsc.VectorSubcoreMesh(core_axis_name="c", subcore_axis_name="s")
    sc_fn = functools.partial(
        pl.kernel,
        out_type=jax.ShapeDtypeStruct((n_sc,), jnp.float32),
        mesh=mesh,
        scratch_types=[
            pltpu.VMEM((_CCHUNK, _BPW), jnp.float32),
            pltpu.VMEM((_BPW,), jnp.int32),
            pltpu.VMEM((_BPW,), jnp.float32),
        ],
        compiler_params=pltpu.CompilerParams(needs_layout_passes=False),
    )(functools.partial(_sc_focal_body, n_tc))
    sc_out = sc_fn(lt, targets)

    B = _B_TC
    G = n_tc // B
    tgt3 = targets[:n_tc].reshape(G, 1, B)
    tc_out = pl.pallas_call(
        _tc_focal_body,
        grid=(G,),
        in_specs=[
            pl.BlockSpec((C, B), lambda g: (0, g)),
            pl.BlockSpec((1, 1, B), lambda g: (g, 0, 0)),
        ],
        out_specs=pl.BlockSpec((1, 1, B), lambda g: (g, 0, 0)),
        out_shape=jax.ShapeDtypeStruct((G, 1, B), jnp.float32),
    )(lt, tgt3)

    return jnp.concatenate([tc_out.reshape(n_tc), sc_out])

# --- scband reference (transcript-rebuilt; emitter-appended) ---
"""Pipeline reference for scband-focal-loss-auto-weights-49125835932231 (READ-ONLY COPY).

The authoritative reference and input builder live on the scoring server;
editing this copy changes nothing except your own understanding.
"""

import jax, jax.numpy as jnp
import numpy as np

NUM_CLASSES = 1000
GAMMA = 2.0


def setup_inputs(seed: int = 0) -> dict:
    key = jax.random.key(seed)
    k1, k2 = jax.random.split(key)
    logits = jax.random.normal(k1, (16384, NUM_CLASSES), dtype=jnp.float32)
    targets = jax.random.randint(k2, (16384,), 0, NUM_CLASSES, dtype=jnp.int64 if jax.config.jax_enable_x64 else jnp.int32)
    return {"logits": logits, "targets": targets}


def reference(logits, targets):
    # class weights (computed under no_grad in torch; ints -> no grad anyway)
    counts = jnp.bincount(targets, minlength=NUM_CLASSES, length=NUM_CLASSES).astype(jnp.float32)
    counts = jnp.where(counts == 0, jnp.ones_like(counts), counts)
    class_weights = 1.0 / counts
    class_weights = class_weights / class_weights.sum()
    class_weights = class_weights.at[1].multiply(3.0)
    class_weights = class_weights.at[2].multiply(3.0)

    log_probs = jax.nn.log_softmax(logits, axis=-1)
    probs = jnp.exp(log_probs)
    tgt = targets.astype(jnp.int32)
    log_pt = jnp.take_along_axis(log_probs, tgt[:, None], axis=1)[:, 0]
    pt = jnp.take_along_axis(probs, tgt[:, None], axis=1)[:, 0]
    focal_term = (1.0 - pt) ** GAMMA
    weights = class_weights[tgt]
    loss = weights * focal_term * log_pt  # overwritten next line, kept for faithfulness
    loss = focal_term * log_pt
    return loss  # reduction='none'

if __name__ == "__main__":
    import jax
    _d = setup_inputs()
    print(jax.jit(kernel)(*tuple(_d.values())))

</pallas_src>

<mosaic_0001>
#map = affine_map<(d0, d1) -> (0, 0)>
#map1 = affine_map<(d0, d1) -> (0)>
module attributes {stable_mosaic.version = 14 : i64} {
  func.func @_sc_focal_body(%arg0: i32, %arg1: i32, %arg2: memref<1000x16384xf32, #tpu.memory_space<hbm>>, %arg3: memref<16384xi32, #tpu.memory_space<hbm>>, %arg4: memref<4096xf32, #tpu.memory_space<hbm>>, %arg5: memref<200x128xf32, #tpu.memory_space<vmem>>, %arg6: memref<128xi32, #tpu.memory_space<vmem>>, %arg7: memref<128xf32, #tpu.memory_space<vmem>>) attributes {dimension_semantics = [#tpu.dimension_semantics<core_parallel>, #tpu.dimension_semantics<subcore_parallel>], iteration_bounds = array<i64: 2, 16>, scalar_prefetch = 0 : i64, scratch_operands = 3 : i64, tpu.core_type = #tpu.core_type<sc_vector_subcore>, window_params = [{transform_indices = #map}, {transform_indices = #map1}, {transform_indices = #map1}]} {
    %mul3A = arith.constant 2 : i32
    %mul3A_0 = arith.muli %arg1, %mul3A : i32
    %add3A = arith.addi %mul3A_0, %arg0 : i32
    %mul3A_1 = arith.constant 128 : i32
    %mul3A_2 = arith.muli %add3A, %mul3A_1 : i32
    %add3A_3 = arith.constant 12288 : i32
    %add3A_4 = arith.addi %add3A_3, %mul3A_2 : i32
    %mul3A_5 = arith.constant 128 : i32
    %mul3A_6 = arith.muli %add3A, %mul3A_5 : i32
    "tpu.region"() ({
      %run_scoped3A = tpu.sem_alloc : memref<!tpu.dma_semaphore, #tpu.memory_space<semaphore_mem>>
      %dma_start3A = tpu.memref_slice %arg3[%add3A_4] : memref<16384xi32, #tpu.memory_space<hbm>> -> memref<128xi32, #tpu.memory_space<hbm>>
      %dma_start3A_311 = tpu.memref_slice %arg3[%add3A_4] : memref<16384xi32, #tpu.memory_space<hbm>> -> memref<128xi32, #tpu.memory_space<hbm>>
      tpu.enqueue_dma source(%dma_start3A_311 : memref<128xi32, #tpu.memory_space<hbm>>) target(%arg6 : memref<128xi32, #tpu.memory_space<vmem>>) target_semaphore(%run_scoped3A : memref<!tpu.dma_semaphore, #tpu.memory_space<semaphore_mem>>)
      %dma_wait3A = tpu.memref_slice %arg3[%add3A_4] : memref<16384xi32, #tpu.memory_space<hbm>> -> memref<128xi32, #tpu.memory_space<hbm>>
      %dma_wait3A_312 = tpu.memref_slice %arg3[%add3A_4] : memref<16384xi32, #tpu.memory_space<hbm>> -> memref<128xi32, #tpu.memory_space<hbm>>
      tpu.wait_dma2 semaphore(%run_scoped3A : memref<!tpu.dma_semaphore, #tpu.memory_space<semaphore_mem>>) src(%dma_wait3A_312 : memref<128xi32, #tpu.memory_space<hbm>>) dst(%arg6 : memref<128xi32, #tpu.memory_space<vmem>>)
      tpu.yield
    }) : () -> ()
    %iota3A = tpu.iota {dimensions = array<i32: 0>} : vector<16xi32>
    %broadcast_in_dim3A = arith.constant 0.000000e+00 : f32
    %broadcast_in_dim3A_7 = vector.broadcast %broadcast_in_dim3A : f32 to vector<16xf32>
    %scan3A = arith.constant 0 : i32
    %scan3A_8 = arith.constant 5 : i32
    %scan3A_9 = arith.addi %scan3A, %scan3A_8 : i32
    %scan3A_10 = arith.constant 1 : i32
    %scan3A_11:16 = scf.for %scan3A_311 = %scan3A to %scan3A_9 step %scan3A_10 iter_args(%scan3A_312 = %broadcast_in_dim3A_7, %scan3A_313 = %broadcast_in_dim3A_7, %scan3A_314 = %broadcast_in_dim3A_7, %scan3A_315 = %broadcast_in_dim3A_7, %scan3A_316 = %broadcast_in_dim3A_7, %scan3A_317 = %broadcast_in_dim3A_7, %scan3A_318 = %broadcast_in_dim3A_7, %scan3A_319 = %broadcast_in_dim3A_7, %scan3A_320 = %broadcast_in_dim3A_7, %scan3A_321 = %broadcast_in_dim3A_7, %scan3A_322 = %broadcast_in_dim3A_7, %scan3A_323 = %broadcast_in_dim3A_7, %scan3A_324 = %broadcast_in_dim3A_7, %scan3A_325 = %broadcast_in_dim3A_7, %scan3A_326 = %broadcast_in_dim3A_7, %scan3A_327 = %broadcast_in_dim3A_7) -> (vector<16xf32>, vector<16xf32>, vector<16xf32>, vector<16xf32>, vector<16xf32>, vector<16xf32>, vector<16xf32>, vector<16xf32>, vector<16xf32>, vector<16xf32>, vector<16xf32>, vector<16xf32>, vector<16xf32>, vector<16xf32>, vector<16xf32>, vector<16xf32>)  : i32 {
      %mul3A_328 = arith.constant 200 : i32
      %mul3A_329 = arith.muli %scan3A_311, %mul3A_328 : i32
      "tpu.region"() ({
        %run_scoped3A = tpu.sem_alloc : memref<!tpu.dma_semaphore, #tpu.memory_space<semaphore_mem>>
        %dma_start3A = tpu.memref_slice %arg2[%mul3A_329, %add3A_4] : memref<1000x16384xf32, #tpu.memory_space<hbm>> -> memref<200x128xf32, #tpu.memory_space<hbm>>
        %dma_start3A_503 = tpu.memref_slice %arg2[%mul3A_329, %add3A_4] : memref<1000x16384xf32, #tpu.memory_space<hbm>> -> memref<200x128xf32, #tpu.memory_space<hbm>>
        tpu.enqueue_dma source(%dma_start3A_503 : memref<200x128xf32, #tpu.memory_space<hbm>>) target(%arg5 : memref<200x128xf32, #tpu.memory_space<vmem>>) target_semaphore(%run_scoped3A : memref<!tpu.dma_semaphore, #tpu.memory_space<semaphore_mem>>)
        %dma_wait3A = tpu.memref_slice %arg2[%mul3A_329, %add3A_4] : memref<1000x16384xf32, #tpu.memory_space<hbm>> -> memref<200x128xf32, #tpu.memory_space<hbm>>
        %dma_wait3A_504 = tpu.memref_slice %arg2[%mul3A_329, %add3A_4] : memref<1000x16384xf32, #tpu.memory_space<hbm>> -> memref<200x128xf32, #tpu.memory_space<hbm>>
        tpu.wait_dma2 semaphore(%run_scoped3A : memref<!tpu.dma_semaphore, #tpu.memory_space<semaphore_mem>>) src(%dma_wait3A_504 : memref<200x128xf32, #tpu.memory_space<hbm>>) dst(%arg5 : memref<200x128xf32, #tpu.memory_space<vmem>>)
        tpu.yield
      }) : () -> ()
      %scan3A_330 = arith.constant 0 : i32
      %scan3A_331 = arith.constant 200 : i32
      %scan3A_332 = arith.addi %scan3A_330, %scan3A_331 : i32
      %scan3A_333 = arith.constant 1 : i32
      %scan3A_334:8 = scf.for %scan3A_503 = %scan3A_330 to %scan3A_332 step %scan3A_333 iter_args(%scan3A_504 = %scan3A_312, %scan3A_505 = %scan3A_313, %scan3A_506 = %scan3A_314, %scan3A_507 = %scan3A_315, %scan3A_508 = %scan3A_316, %scan3A_509 = %scan3A_317, %scan3A_510 = %scan3A_318, %scan3A_511 = %scan3A_319) -> (vector<16xf32>, vector<16xf32>, vector<16xf32>, vector<16xf32>, vector<16xf32>, vector<16xf32>, vector<16xf32>, vector<16xf32>)  : i32 {
        %get3A_512 = arith.index_cast %scan3A_503 : i32 to index
        %get3A_513 = arith.constant 0 : index
        %get3A_514 = tpu.vector_load %arg5[%get3A_512, %get3A_513] {strides = array<i32>} : memref<200x128xf32, #tpu.memory_space<vmem>>, vector<16xf32>,
        %exp3A_515 = math.exp %get3A_514 : vector<16xf32>
        %add3A_516 = arith.addf %scan3A_504, %exp3A_515 : vector<16xf32>
        %get3A_517 = arith.index_cast %scan3A_503 : i32 to index
        %get3A_518 = arith.constant 16 : index
        %get3A_519 = tpu.vector_load %arg5[%get3A_517, %get3A_518] {strides = array<i32>} : memref<200x128xf32, #tpu.memory_space<vmem>>, vector<16xf32>,
        %exp3A_520 = math.exp %get3A_519 : vector<16xf32>
        %add3A_521 = arith.addf %scan3A_505, %exp3A_520 : vector<16xf32>
        %get3A_522 = arith.index_cast %scan3A_503 : i32 to index
        %get3A_523 = arith.constant 32 : index
        %get3A_524 = tpu.vector_load %arg5[%get3A_522, %get3A_523] {strides = array<i32>} : memref<200x128xf32, #tpu.memory_space<vmem>>, vector<16xf32>,
        %exp3A_525 = math.exp %get3A_524 : vector<16xf32>
        %add3A_526 = arith.addf %scan3A_506, %exp3A_525 : vector<16xf32>
        %get3A_527 = arith.index_cast %scan3A_503 : i32 to index
        %get3A_528 = arith.constant 48 : index
        %get3A_529 = tpu.vector_load %arg5[%get3A_527, %get3A_528] {strides = array<i32>} : memref<200x128xf32, #tpu.memory_space<vmem>>, vector<16xf32>,
        %exp3A_530 = math.exp %get3A_529 : vector<16xf32>
        %add3A_531 = arith.addf %scan3A_507, %exp3A_530 : vector<16xf32>
        %get3A_532 = arith.index_cast %scan3A_503 : i32 to index
        %get3A_533 = arith.constant 64 : index
        %get3A_534 = tpu.vector_load %arg5[%get3A_532, %get3A_533] {strides = array<i32>} : memref<200x128xf32, #tpu.memory_space<vmem>>, vector<16xf32>,
        %exp3A_535 = math.exp %get3A_534 : vector<16xf32>
        %add3A_536 = arith.addf %scan3A_508, %exp3A_535 : vector<16xf32>
        %get3A_537 = arith.index_cast %scan3A_503 : i32 to index
        %get3A_538 = arith.constant 80 : index
        %get3A_539 = tpu.vector_load %arg5[%get3A_537, %get3A_538] {strides = array<i32>} : memref<200x128xf32, #tpu.memory_space<vmem>>, vector<16xf32>,
        %exp3A_540 = math.exp %get3A_539 : vector<16xf32>
        %add3A_541 = arith.addf %scan3A_509, %exp3A_540 : vector<16xf32>
        %get3A_542 = arith.index_cast %scan3A_503 : i32 to index
        %get3A_543 = arith.constant 96 : index
        %get3A_544 = tpu.vector_load %arg5[%get3A_542, %get3A_543] {strides = array<i32>} : memref<200x128xf32, #tpu.memory_space<vmem>>, vector<16xf32>,
        %exp3A_545 = math.exp %get3A_544 : vector<16xf32>
        %add3A_546 = arith.addf %scan3A_510, %exp3A_545 : vector<16xf32>
        %get3A_547 = arith.index_cast %scan3A_503 : i32 to index
        %get3A_548 = arith.constant 112 : index
        %get3A_549 = tpu.vector_load %arg5[%get3A_547, %get3A_548] {strides = array<i32>} : memref<200x128xf32, #tpu.memory_space<vmem>>, vector<16xf32>,
        %exp3A_550 = math.exp %get3A_549 : vector<16xf32>
        %add3A_551 = arith.addf %scan3A_511, %exp3A_550 : vector<16xf32>
        scf.yield %add3A_516, %add3A_521, %add3A_526, %add3A_531, %add3A_536, %add3A_541, %add3A_546, %add3A_551 : vector<16xf32>, vector<16xf32>, vector<16xf32>, vector<16xf32>, vector<16xf32>, vector<16xf32>, vector<16xf32>, vector<16xf32>
      }
      %scan3A_335 = arith.constant 200 : i32
      %get3A = arith.constant 0 : index
      %get3A_336 = tpu.vector_load %arg6[%get3A] {strides = array<i32>} : memref<128xi32, #tpu.memory_space<vmem>>, vector<16xi32>,
      %ge3A = vector.broadcast %mul3A_329 : i32 to vector<16xi32>
      %ge3A_337 = arith.cmpi sge, %get3A_336, %ge3A : vector<16xi32>
      %add3A_338 = arith.constant 200 : i32
      %add3A_339 = arith.addi %mul3A_329, %add3A_338 : i32
      %lt3A = vector.broadcast %add3A_339 : i32 to vector<16xi32>
      %lt3A_340 = arith.cmpi slt, %get3A_336, %lt3A : vector<16xi32>
      %and3A = arith.andi %ge3A_337, %lt3A_340 : vector<16xi1>
      %sub3A_341 = vector.broadcast %mul3A_329 : i32 to vector<16xi32>
      %sub3A_342 = arith.subi %get3A_336, %sub3A_341 : vector<16xi32>
      %jit3A = arith.constant 0 : i32
      %jit3A_343 = arith.constant 199 : i32
      %max3A = vector.broadcast %jit3A : i32 to vector<16xi32>
      %max3A_344 = arith.maxsi %max3A, %sub3A_342 : vector<16xi32>
      %min3A = vector.broadcast %jit3A_343 : i32 to vector<16xi32>
      %min3A_345 = arith.minsi %min3A, %max3A_344 : vector<16xi32>
      %add3A_346 = arith.constant 0 : i32
      %add3A_347 = vector.broadcast %add3A_346 : i32 to vector<16xi32>
      %add3A_348 = arith.addi %iota3A, %add3A_347 : vector<16xi32>
      %gather3A = tpu.vector_load_idx %arg5[%min3A_345, %add3A_348] : memref<200x128xf32, #tpu.memory_space<vmem>>[vector<16xi32>, vector<16xi32>], vector<16xf32>,
      %select_n3A = arith.select %and3A, %gather3A, %scan3A_320 : vector<16xi1>, vector<16xf32>
      %get3A_349 = arith.constant 16 : index
      %get3A_350 = tpu.vector_load %arg6[%get3A_349] {strides = array<i32>} : memref<128xi32, #tpu.memory_space<vmem>>, vector<16xi32>,
      %ge3A_351 = vector.broadcast %mul3A_329 : i32 to vector<16xi32>
      %ge3A_352 = arith.cmpi sge, %get3A_350, %ge3A_351 : vector<16xi32>
      %add3A_353 = arith.constant 200 : i32
      %add3A_354 = arith.addi %mul3A_329, %add3A_353 : i32
      %lt3A_355 = vector.broadcast %add3A_354 : i32 to vector<16xi32>
      %lt3A_356 = arith.cmpi slt, %get3A_350, %lt3A_355 : vector<16xi32>
      %and3A_357 = arith.andi %ge3A_352, %lt3A_356 : vector<16xi1>
      %sub3A_358 = vector.broadcast %mul3A_329 : i32 to vector<16xi32>
      %sub3A_359 = arith.subi %get3A_350, %sub3A_358 : vector<16xi32>
      %jit3A_360 = arith.constant 0 : i32
      %jit3A_361 = arith.constant 199 : i32
      %max3A_362 = vector.broadcast %jit3A_360 : i32 to vector<16xi32>
      %max3A_363 = arith.maxsi %max3A_362, %sub3A_359 : vector<16xi32>
      %min3A_364 = vector.broadcast %jit3A_361 : i32 to vector<16xi32>
      %min3A_365 = arith.minsi %min3A_364, %max3A_363 : vector<16xi32>
      %add3A_366 = arith.constant 16 : i32
      %add3A_367 = vector.broadcast %add3A_366 : i32 to vector<16xi32>
      %add3A_368 = arith.addi %iota3A, %add3A_367 : vector<16xi32>
      %gather3A_369 = tpu.vector_load_idx %arg5[%min3A_365, %add3A_368] : memref<200x128xf32, #tpu.memory_space<vmem>>[vector<16xi32>, vector<16xi32>], vector<16xf32>,
      %select_n3A_370 = arith.select %and3A_357, %gather3A_369, %scan3A_321 : vector<16xi1>, vector<16xf32>
      %get3A_371 = arith.constant 32 : index
      %get3A_372 = tpu.vector_load %arg6[%get3A_371] {strides = array<i32>} : memref<128xi32, #tpu.memory_space<vmem>>, vector<16xi32>,
      %ge3A_373 = vector.broadcast %mul3A_329 : i32 to vector<16xi32>
      %ge3A_374 = arith.cmpi sge, %get3A_372, %ge3A_373 : vector<16xi32>
      %add3A_375 = arith.constant 200 : i32
      %add3A_376 = arith.addi %mul3A_329, %add3A_375 : i32
      %lt3A_377 = vector.broadcast %add3A_376 : i32 to vector<16xi32>
      %lt3A_378 = arith.cmpi slt, %get3A_372, %lt3A_377 : vector<16xi32>
      %and3A_379 = arith.andi %ge3A_374, %lt3A_378 : vector<16xi1>
      %sub3A_380 = vector.broadcast %mul3A_329 : i32 to vector<16xi32>
      %sub3A_381 = arith.subi %get3A_372, %sub3A_380 : vector<16xi32>
      %jit3A_382 = arith.constant 0 : i32
      %jit3A_383 = arith.constant 199 : i32
      %max3A_384 = vector.broadcast %jit3A_382 : i32 to vector<16xi32>
      %max3A_385 = arith.maxsi %max3A_384, %sub3A_381 : vector<16xi32>
      %min3A_386 = vector.broadcast %jit3A_383 : i32 to vector<16xi32>
      %min3A_387 = arith.minsi %min3A_386, %max3A_385 : vector<16xi32>
      %add3A_388 = arith.constant 32 : i32
      %add3A_389 = vector.broadcast %add3A_388 : i32 to vector<16xi32>
      %add3A_390 = arith.addi %iota3A, %add3A_389 : vector<16xi32>
      %gather3A_391 = tpu.vector_load_idx %arg5[%min3A_387, %add3A_390] : memref<200x128xf32, #tpu.memory_space<vmem>>[vector<16xi32>, vector<16xi32>], vector<16xf32>,
      %select_n3A_392 = arith.select %and3A_379, %gather3A_391, %scan3A_322 : vector<16xi1>, vector<16xf32>
      %get3A_393 = arith.constant 48 : index
      %get3A_394 = tpu.vector_load %arg6[%get3A_393] {strides = array<i32>} : memref<128xi32, #tpu.memory_space<vmem>>, vector<16xi32>,
      %ge3A_395 = vector.broadcast %mul3A_329 : i32 to vector<16xi32>
      %ge3A_396 = arith.cmpi sge, %get3A_394, %ge3A_395 : vector<16xi32>
      %add3A_397 = arith.constant 200 : i32
      %add3A_398 = arith.addi %mul3A_329, %add3A_397 : i32
      %lt3A_399 = vector.broadcast %add3A_398 : i32 to vector<16xi32>
      %lt3A_400 = arith.cmpi slt, %get3A_394, %lt3A_399 : vector<16xi32>
      %and3A_401 = arith.andi %ge3A_396, %lt3A_400 : vector<16xi1>
      %sub3A_402 = vector.broadcast %mul3A_329 : i32 to vector<16xi32>
      %sub3A_403 = arith.subi %get3A_394, %sub3A_402 : vector<16xi32>
      %jit3A_404 = arith.constant 0 : i32
      %jit3A_405 = arith.constant 199 : i32
      %max3A_406 = vector.broadcast %jit3A_404 : i32 to vector<16xi32>
      %max3A_407 = arith.maxsi %max3A_406, %sub3A_403 : vector<16xi32>
      %min3A_408 = vector.broadcast %jit3A_405 : i32 to vector<16xi32>
      %min3A_409 = arith.minsi %min3A_408, %max3A_407 : vector<16xi32>
      %add3A_410 = arith.constant 48 : i32
      %add3A_411 = vector.broadcast %add3A_410 : i32 to vector<16xi32>
      %add3A_412 = arith.addi %iota3A, %add3A_411 : vector<16xi32>
      %gather3A_413 = tpu.vector_load_idx %arg5[%min3A_409, %add3A_412] : memref<200x128xf32, #tpu.memory_space<vmem>>[vector<16xi32>, vector<16xi32>], vector<16xf32>,
      %select_n3A_414 = arith.select %and3A_401, %gather3A_413, %scan3A_323 : vector<16xi1>, vector<16xf32>
      %get3A_415 = arith.constant 64 : index
      %get3A_416 = tpu.vector_load %arg6[%get3A_415] {strides = array<i32>} : memref<128xi32, #tpu.memory_space<vmem>>, vector<16xi32>,
      %ge3A_417 = vector.broadcast %mul3A_329 : i32 to vector<16xi32>
      %ge3A_418 = arith.cmpi sge, %get3A_416, %ge3A_417 : vector<16xi32>
      %add3A_419 = arith.constant 200 : i32
      %add3A_420 = arith.addi %mul3A_329, %add3A_419 : i32
      %lt3A_421 = vector.broadcast %add3A_420 : i32 to vector<16xi32>
      %lt3A_422 = arith.cmpi slt, %get3A_416, %lt3A_421 : vector<16xi32>
      %and3A_423 = arith.andi %ge3A_418, %lt3A_422 : vector<16xi1>
      %sub3A_424 = vector.broadcast %mul3A_329 : i32 to vector<16xi32>
      %sub3A_425 = arith.subi %get3A_416, %sub3A_424 : vector<16xi32>
      %jit3A_426 = arith.constant 0 : i32
      %jit3A_427 = arith.constant 199 : i32
      %max3A_428 = vector.broadcast %jit3A_426 : i32 to vector<16xi32>
      %max3A_429 = arith.maxsi %max3A_428, %sub3A_425 : vector<16xi32>
      %min3A_430 = vector.broadcast %jit3A_427 : i32 to vector<16xi32>
      %min3A_431 = arith.minsi %min3A_430, %max3A_429 : vector<16xi32>
      %add3A_432 = arith.constant 64 : i32
      %add3A_433 = vector.broadcast %add3A_432 : i32 to vector<16xi32>
      %add3A_434 = arith.addi %iota3A, %add3A_433 : vector<16xi32>
      %gather3A_435 = tpu.vector_load_idx %arg5[%min3A_431, %add3A_434] : memref<200x128xf32, #tpu.memory_space<vmem>>[vector<16xi32>, vector<16xi32>], vector<16xf32>,
      %select_n3A_436 = arith.select %and3A_423, %gather3A_435, %scan3A_324 : vector<16xi1>, vector<16xf32>
      %get3A_437 = arith.constant 80 : index
      %get3A_438 = tpu.vector_load %arg6[%get3A_437] {strides = array<i32>} : memref<128xi32, #tpu.memory_space<vmem>>, vector<16xi32>,
      %ge3A_439 = vector.broadcast %mul3A_329 : i32 to vector<16xi32>
      %ge3A_440 = arith.cmpi sge, %get3A_438, %ge3A_439 : vector<16xi32>
      %add3A_441 = arith.constant 200 : i32
      %add3A_442 = arith.addi %mul3A_329, %add3A_441 : i32
      %lt3A_443 = vector.broadcast %add3A_442 : i32 to vector<16xi32>
      %lt3A_444 = arith.cmpi slt, %get3A_438, %lt3A_443 : vector<16xi32>
      %and3A_445 = arith.andi %ge3A_440, %lt3A_444 : vector<16xi1>
      %sub3A_446 = vector.broadcast %mul3A_329 : i32 to vector<16xi32>
      %sub3A_447 = arith.subi %get3A_438, %sub3A_446 : vector<16xi32>
      %jit3A_448 = arith.constant 0 : i32
      %jit3A_449 = arith.constant 199 : i32
      %max3A_450 = vector.broadcast %jit3A_448 : i32 to vector<16xi32>
      %max3A_451 = arith.maxsi %max3A_450, %sub3A_447 : vector<16xi32>
      %min3A_452 = vector.broadcast %jit3A_449 : i32 to vector<16xi32>
      %min3A_453 = arith.minsi %min3A_452, %max3A_451 : vector<16xi32>
      %add3A_454 = arith.constant 80 : i32
      %add3A_455 = vector.broadcast %add3A_454 : i32 to vector<16xi32>
      %add3A_456 = arith.addi %iota3A, %add3A_455 : vector<16xi32>
      %gather3A_457 = tpu.vector_load_idx %arg5[%min3A_453, %add3A_456] : memref<200x128xf32, #tpu.memory_space<vmem>>[vector<16xi32>, vector<16xi32>], vector<16xf32>,
      %select_n3A_458 = arith.select %and3A_445, %gather3A_457, %scan3A_325 : vector<16xi1>, vector<16xf32>
      %get3A_459 = arith.constant 96 : index
      %get3A_460 = tpu.vector_load %arg6[%get3A_459] {strides = array<i32>} : memref<128xi32, #tpu.memory_space<vmem>>, vector<16xi32>,
      %ge3A_461 = vector.broadcast %mul3A_329 : i32 to vector<16xi32>
      %ge3A_462 = arith.cmpi sge, %get3A_460, %ge3A_461 : vector<16xi32>
      %add3A_463 = arith.constant 200 : i32
      %add3A_464 = arith.addi %mul3A_329, %add3A_463 : i32
      %lt3A_465 = vector.broadcast %add3A_464 : i32 to vector<16xi32>
      %lt3A_466 = arith.cmpi slt, %get3A_460, %lt3A_465 : vector<16xi32>
      %and3A_467 = arith.andi %ge3A_462, %lt3A_466 : vector<16xi1>
      %sub3A_468 = vector.broadcast %mul3A_329 : i32 to vector<16xi32>
      %sub3A_469 = arith.subi %get3A_460, %sub3A_468 : vector<16xi32>
      %jit3A_470 = arith.constant 0 : i32
      %jit3A_471 = arith.constant 199 : i32
      %max3A_472 = vector.broadcast %jit3A_470 : i32 to vector<16xi32>
      %max3A_473 = arith.maxsi %max3A_472, %sub3A_469 : vector<16xi32>
      %min3A_474 = vector.broadcast %jit3A_471 : i32 to vector<16xi32>
      %min3A_475 = arith.minsi %min3A_474, %max3A_473 : vector<16xi32>
      %add3A_476 = arith.constant 96 : i32
      %add3A_477 = vector.broadcast %add3A_476 : i32 to vector<16xi32>
      %add3A_478 = arith.addi %iota3A, %add3A_477 : vector<16xi32>
      %gather3A_479 = tpu.vector_load_idx %arg5[%min3A_475, %add3A_478] : memref<200x128xf32, #tpu.memory_space<vmem>>[vector<16xi32>, vector<16xi32>], vector<16xf32>,
      %select_n3A_480 = arith.select %and3A_467, %gather3A_479, %scan3A_326 : vector<16xi1>, vector<16xf32>
      %get3A_481 = arith.constant 112 : index
      %get3A_482 = tpu.vector_load %arg6[%get3A_481] {strides = array<i32>} : memref<128xi32, #tpu.memory_space<vmem>>, vector<16xi32>,
      %ge3A_483 = vector.broadcast %mul3A_329 : i32 to vector<16xi32>
      %ge3A_484 = arith.cmpi sge, %get3A_482, %ge3A_483 : vector<16xi32>
      %add3A_485 = arith.constant 200 : i32
      %add3A_486 = arith.addi %mul3A_329, %add3A_485 : i32
      %lt3A_487 = vector.broadcast %add3A_486 : i32 to vector<16xi32>
      %lt3A_488 = arith.cmpi slt, %get3A_482, %lt3A_487 : vector<16xi32>
      %and3A_489 = arith.andi %ge3A_484, %lt3A_488 : vector<16xi1>
      %sub3A_490 = vector.broadcast %mul3A_329 : i32 to vector<16xi32>
      %sub3A_491 = arith.subi %get3A_482, %sub3A_490 : vector<16xi32>
      %jit3A_492 = arith.constant 0 : i32
      %jit3A_493 = arith.constant 199 : i32
      %max3A_494 = vector.broadcast %jit3A_492 : i32 to vector<16xi32>
      %max3A_495 = arith.maxsi %max3A_494, %sub3A_491 : vector<16xi32>
      %min3A_496 = vector.broadcast %jit3A_493 : i32 to vector<16xi32>
      %min3A_497 = arith.minsi %min3A_496, %max3A_495 : vector<16xi32>
      %add3A_498 = arith.constant 112 : i32
      %add3A_499 = vector.broadcast %add3A_498 : i32 to vector<16xi32>
      %add3A_500 = arith.addi %iota3A, %add3A_499 : vector<16xi32>
      %gather3A_501 = tpu.vector_load_idx %arg5[%min3A_497, %add3A_500] : memref<200x128xf32, #tpu.memory_space<vmem>>[vector<16xi32>, vector<16xi32>], vector<16xf32>,
      %select_n3A_502 = arith.select %and3A_489, %gather3A_501, %scan3A_327 : vector<16xi1>, vector<16xf32>
      scf.yield %scan3A_334#0, %scan3A_334#1, %scan3A_334#2, %scan3A_334#3, %scan3A_334#4, %scan3A_334#5, %scan3A_334#6, %scan3A_334#7, %select_n3A, %select_n3A_370, %select_n3A_392, %select_n3A_414, %select_n3A_436, %select_n3A_458, %select_n3A_480, %select_n3A_502 : vector<16xf32>, vector<16xf32>, vector<16xf32>, vector<16xf32>, vector<16xf32>, vector<16xf32>, vector<16xf32>, vector<16xf32>, vector<16xf32>, vector<16xf32>, vector<16xf32>, vector<16xf32>, vector<16xf32>, vector<16xf32>, vector<16xf32>, vector<16xf32>
    }
    %scan3A_12 = arith.constant 5 : i32
    %bitcast3A = vector.bitcast %scan3A_11#0 : vector<16xf32> to vector<16xi32>
    %sub3A = arith.constant 1065353216 : i32
    %sub3A_13 = vector.broadcast %sub3A : i32 to vector<16xi32>
    %sub3A_14 = arith.subi %bitcast3A, %sub3A_13 : vector<16xi32>
    %convert_element_type3A = arith.sitofp %sub3A_14 : vector<16xi32> to vector<16xf32>
    %mul3A_15 = arith.constant 8.26295832E-8 : f32
    %mul3A_16 = vector.broadcast %mul3A_15 : f32 to vector<16xf32>
    %mul3A_17 = arith.mulf %convert_element_type3A, %mul3A_16 : vector<16xf32>
    %neg3A = arith.constant 0.000000e+00 : f32
    %neg3A_18 = vector.broadcast %neg3A : f32 to vector<16xf32>
    %neg3A_19 = arith.subf %neg3A_18, %mul3A_17 : vector<16xf32>
    %exp3A = math.exp %neg3A_19 : vector<16xf32>
    %mul3A_20 = arith.mulf %scan3A_11#0, %exp3A : vector<16xf32>
    %add3A_21 = arith.addf %mul3A_17, %mul3A_20 : vector<16xf32>
    %sub3A_22 = arith.constant 1.000000e+00 : f32
    %sub3A_23 = vector.broadcast %sub3A_22 : f32 to vector<16xf32>
    %sub3A_24 = arith.subf %add3A_21, %sub3A_23 : vector<16xf32>
    %neg3A_25 = arith.constant 0.000000e+00 : f32
    %neg3A_26 = vector.broadcast %neg3A_25 : f32 to vector<16xf32>
    %neg3A_27 = arith.subf %neg3A_26, %sub3A_24 : vector<16xf32>
    %exp3A_28 = math.exp %neg3A_27 : vector<16xf32>
    %mul3A_29 = arith.mulf %scan3A_11#0, %exp3A_28 : vector<16xf32>
    %add3A_30 = arith.addf %sub3A_24, %mul3A_29 : vector<16xf32>
    %sub3A_31 = arith.constant 1.000000e+00 : f32
    %sub3A_32 = vector.broadcast %sub3A_31 : f32 to vector<16xf32>
    %sub3A_33 = arith.subf %add3A_30, %sub3A_32 : vector<16xf32>
    %sub3A_34 = arith.subf %scan3A_11#8, %sub3A_33 : vector<16xf32>
    %exp3A_35 = math.exp %sub3A_34 : vector<16xf32>
    %sub3A_36 = arith.constant 1.000000e+00 : f32
    %sub3A_37 = vector.broadcast %sub3A_36 : f32 to vector<16xf32>
    %sub3A_38 = arith.subf %sub3A_37, %exp3A_35 : vector<16xf32>
    %sub3A_39 = arith.constant 1.000000e+00 : f32
    %sub3A_40 = vector.broadcast %sub3A_39 : f32 to vector<16xf32>
    %sub3A_41 = arith.subf %sub3A_40, %exp3A_35 : vector<16xf32>
    %mul3A_42 = arith.mulf %sub3A_38, %sub3A_41 : vector<16xf32>
    %mul3A_43 = arith.mulf %mul3A_42, %sub3A_34 : vector<16xf32>
    %swap3A = arith.constant 0 : index
    %swap3A_44 = tpu.vector_load %arg7[%swap3A] {strides = array<i32>} : memref<128xf32, #tpu.memory_space<vmem>>, vector<16xf32>,
    tpu.vector_store %arg7[%swap3A], %mul3A_43 {strides = array<i32>} : memref<128xf32, #tpu.memory_space<vmem>>, vector<16xf32>,
    %bitcast3A_45 = vector.bitcast %scan3A_11#1 : vector<16xf32> to vector<16xi32>
    %sub3A_46 = arith.constant 1065353216 : i32
    %sub3A_47 = vector.broadcast %sub3A_46 : i32 to vector<16xi32>
    %sub3A_48 = arith.subi %bitcast3A_45, %sub3A_47 : vector<16xi32>
    %convert_element_type3A_49 = arith.sitofp %sub3A_48 : vector<16xi32> to vector<16xf32>
    %mul3A_50 = arith.constant 8.26295832E-8 : f32
    %mul3A_51 = vector.broadcast %mul3A_50 : f32 to vector<16xf32>
    %mul3A_52 = arith.mulf %convert_element_type3A_49, %mul3A_51 : vector<16xf32>
    %neg3A_53 = arith.constant 0.000000e+00 : f32
    %neg3A_54 = vector.broadcast %neg3A_53 : f32 to vector<16xf32>
    %neg3A_55 = arith.subf %neg3A_54, %mul3A_52 : vector<16xf32>
    %exp3A_56 = math.exp %neg3A_55 : vector<16xf32>
    %mul3A_57 = arith.mulf %scan3A_11#1, %exp3A_56 : vector<16xf32>
    %add3A_58 = arith.addf %mul3A_52, %mul3A_57 : vector<16xf32>
    %sub3A_59 = arith.constant 1.000000e+00 : f32
    %sub3A_60 = vector.broadcast %sub3A_59 : f32 to vector<16xf32>
    %sub3A_61 = arith.subf %add3A_58, %sub3A_60 : vector<16xf32>
    %neg3A_62 = arith.constant 0.000000e+00 : f32
    %neg3A_63 = vector.broadcast %neg3A_62 : f32 to vector<16xf32>
    %neg3A_64 = arith.subf %neg3A_63, %sub3A_61 : vector<16xf32>
    %exp3A_65 = math.exp %neg3A_64 : vector<16xf32>
    %mul3A_66 = arith.mulf %scan3A_11#1, %exp3A_65 : vector<16xf32>
    %add3A_67 = arith.addf %sub3A_61, %mul3A_66 : vector<16xf32>
    %sub3A_68 = arith.constant 1.000000e+00 : f32
    %sub3A_69 = vector.broadcast %sub3A_68 : f32 to vector<16xf32>
    %sub3A_70 = arith.subf %add3A_67, %sub3A_69 : vector<16xf32>
    %sub3A_71 = arith.subf %scan3A_11#9, %sub3A_70 : vector<16xf32>
    %exp3A_72 = math.exp %sub3A_71 : vector<16xf32>
    %sub3A_73 = arith.constant 1.000000e+00 : f32
    %sub3A_74 = vector.broadcast %sub3A_73 : f32 to vector<16xf32>
    %sub3A_75 = arith.subf %sub3A_74, %exp3A_72 : vector<16xf32>
    %sub3A_76 = arith.constant 1.000000e+00 : f32
    %sub3A_77 = vector.broadcast %sub3A_76 : f32 to vector<16xf32>
    %sub3A_78 = arith.subf %sub3A_77, %exp3A_72 : vector<16xf32>
    %mul3A_79 = arith.mulf %sub3A_75, %sub3A_78 : vector<16xf32>
    %mul3A_80 = arith.mulf %mul3A_79, %sub3A_71 : vector<16xf32>
    %swap3A_81 = arith.constant 16 : index
    %swap3A_82 = tpu.vector_load %arg7[%swap3A_81] {strides = array<i32>} : memref<128xf32, #tpu.memory_space<vmem>>, vector<16xf32>,
    tpu.vector_store %arg7[%swap3A_81], %mul3A_80 {strides = array<i32>} : memref<128xf32, #tpu.memory_space<vmem>>, vector<16xf32>,
    %bitcast3A_83 = vector.bitcast %scan3A_11#2 : vector<16xf32> to vector<16xi32>
    %sub3A_84 = arith.constant 1065353216 : i32
    %sub3A_85 = vector.broadcast %sub3A_84 : i32 to vector<16xi32>
    %sub3A_86 = arith.subi %bitcast3A_83, %sub3A_85 : vector<16xi32>
    %convert_element_type3A_87 = arith.sitofp %sub3A_86 : vector<16xi32> to vector<16xf32>
    %mul3A_88 = arith.constant 8.26295832E-8 : f32
    %mul3A_89 = vector.broadcast %mul3A_88 : f32 to vector<16xf32>
    %mul3A_90 = arith.mulf %convert_element_type3A_87, %mul3A_89 : vector<16xf32>
    %neg3A_91 = arith.constant 0.000000e+00 : f32
    %neg3A_92 = vector.broadcast %neg3A_91 : f32 to vector<16xf32>
    %neg3A_93 = arith.subf %neg3A_92, %mul3A_90 : vector<16xf32>
    %exp3A_94 = math.exp %neg3A_93 : vector<16xf32>
    %mul3A_95 = arith.mulf %scan3A_11#2, %exp3A_94 : vector<16xf32>
    %add3A_96 = arith.addf %mul3A_90, %mul3A_95 : vector<16xf32>
    %sub3A_97 = arith.constant 1.000000e+00 : f32
    %sub3A_98 = vector.broadcast %sub3A_97 : f32 to vector<16xf32>
    %sub3A_99 = arith.subf %add3A_96, %sub3A_98 : vector<16xf32>
    %neg3A_100 = arith.constant 0.000000e+00 : f32
    %neg3A_101 = vector.broadcast %neg3A_100 : f32 to vector<16xf32>
    %neg3A_102 = arith.subf %neg3A_101, %sub3A_99 : vector<16xf32>
    %exp3A_103 = math.exp %neg3A_102 : vector<16xf32>
    %mul3A_104 = arith.mulf %scan3A_11#2, %exp3A_103 : vector<16xf32>
    %add3A_105 = arith.addf %sub3A_99, %mul3A_104 : vector<16xf32>
    %sub3A_106 = arith.constant 1.000000e+00 : f32
    %sub3A_107 = vector.broadcast %sub3A_106 : f32 to vector<16xf32>
    %sub3A_108 = arith.subf %add3A_105, %sub3A_107 : vector<16xf32>
    %sub3A_109 = arith.subf %scan3A_11#10, %sub3A_108 : vector<16xf32>
    %exp3A_110 = math.exp %sub3A_109 : vector<16xf32>
    %sub3A_111 = arith.constant 1.000000e+00 : f32
    %sub3A_112 = vector.broadcast %sub3A_111 : f32 to vector<16xf32>
    %sub3A_113 = arith.subf %sub3A_112, %exp3A_110 : vector<16xf32>
    %sub3A_114 = arith.constant 1.000000e+00 : f32
    %sub3A_115 = vector.broadcast %sub3A_114 : f32 to vector<16xf32>
    %sub3A_116 = arith.subf %sub3A_115, %exp3A_110 : vector<16xf32>
    %mul3A_117 = arith.mulf %sub3A_113, %sub3A_116 : vector<16xf32>
    %mul3A_118 = arith.mulf %mul3A_117, %sub3A_109 : vector<16xf32>
    %swap3A_119 = arith.constant 32 : index
    %swap3A_120 = tpu.vector_load %arg7[%swap3A_119] {strides = array<i32>} : memref<128xf32, #tpu.memory_space<vmem>>, vector<16xf32>,
    tpu.vector_store %arg7[%swap3A_119], %mul3A_118 {strides = array<i32>} : memref<128xf32, #tpu.memory_space<vmem>>, vector<16xf32>,
    %bitcast3A_121 = vector.bitcast %scan3A_11#3 : vector<16xf32> to vector<16xi32>
    %sub3A_122 = arith.constant 1065353216 : i32
    %sub3A_123 = vector.broadcast %sub3A_122 : i32 to vector<16xi32>
    %sub3A_124 = arith.subi %bitcast3A_121, %sub3A_123 : vector<16xi32>
    %convert_element_type3A_125 = arith.sitofp %sub3A_124 : vector<16xi32> to vector<16xf32>
    %mul3A_126 = arith.constant 8.26295832E-8 : f32
    %mul3A_127 = vector.broadcast %mul3A_126 : f32 to vector<16xf32>
    %mul3A_128 = arith.mulf %convert_element_type3A_125, %mul3A_127 : vector<16xf32>
    %neg3A_129 = arith.constant 0.000000e+00 : f32
    %neg3A_130 = vector.broadcast %neg3A_129 : f32 to vector<16xf32>
    %neg3A_131 = arith.subf %neg3A_130, %mul3A_128 : vector<16xf32>
    %exp3A_132 = math.exp %neg3A_131 : vector<16xf32>
    %mul3A_133 = arith.mulf %scan3A_11#3, %exp3A_132 : vector<16xf32>
    %add3A_134 = arith.addf %mul3A_128, %mul3A_133 : vector<16xf32>
    %sub3A_135 = arith.constant 1.000000e+00 : f32
    %sub3A_136 = vector.broadcast %sub3A_135 : f32 to vector<16xf32>
    %sub3A_137 = arith.subf %add3A_134, %sub3A_136 : vector<16xf32>
    %neg3A_138 = arith.constant 0.000000e+00 : f32
    %neg3A_139 = vector.broadcast %neg3A_138 : f32 to vector<16xf32>
    %neg3A_140 = arith.subf %neg3A_139, %sub3A_137 : vector<16xf32>
    %exp3A_141 = math.exp %neg3A_140 : vector<16xf32>
    %mul3A_142 = arith.mulf %scan3A_11#3, %exp3A_141 : vector<16xf32>
    %add3A_143 = arith.addf %sub3A_137, %mul3A_142 : vector<16xf32>
    %sub3A_144 = arith.constant 1.000000e+00 : f32
    %sub3A_145 = vector.broadcast %sub3A_144 : f32 to vector<16xf32>
    %sub3A_146 = arith.subf %add3A_143, %sub3A_145 : vector<16xf32>
    %sub3A_147 = arith.subf %scan3A_11#11, %sub3A_146 : vector<16xf32>
    %exp3A_148 = math.exp %sub3A_147 : vector<16xf32>
    %sub3A_149 = arith.constant 1.000000e+00 : f32
    %sub3A_150 = vector.broadcast %sub3A_149 : f32 to vector<16xf32>
    %sub3A_151 = arith.subf %sub3A_150, %exp3A_148 : vector<16xf32>
    %sub3A_152 = arith.constant 1.000000e+00 : f32
    %sub3A_153 = vector.broadcast %sub3A_152 : f32 to vector<16xf32>
    %sub3A_154 = arith.subf %sub3A_153, %exp3A_148 : vector<16xf32>
    %mul3A_155 = arith.mulf %sub3A_151, %sub3A_154 : vector<16xf32>
    %mul3A_156 = arith.mulf %mul3A_155, %sub3A_147 : vector<16xf32>
    %swap3A_157 = arith.constant 48 : index
    %swap3A_158 = tpu.vector_load %arg7[%swap3A_157] {strides = array<i32>} : memref<128xf32, #tpu.memory_space<vmem>>, vector<16xf32>,
    tpu.vector_store %arg7[%swap3A_157], %mul3A_156 {strides = array<i32>} : memref<128xf32, #tpu.memory_space<vmem>>, vector<16xf32>,
    %bitcast3A_159 = vector.bitcast %scan3A_11#4 : vector<16xf32> to vector<16xi32>
    %sub3A_160 = arith.constant 1065353216 : i32
    %sub3A_161 = vector.broadcast %sub3A_160 : i32 to vector<16xi32>
    %sub3A_162 = arith.subi %bitcast3A_159, %sub3A_161 : vector<16xi32>
    %convert_element_type3A_163 = arith.sitofp %sub3A_162 : vector<16xi32> to vector<16xf32>
    %mul3A_164 = arith.constant 8.26295832E-8 : f32
    %mul3A_165 = vector.broadcast %mul3A_164 : f32 to vector<16xf32>
    %mul3A_166 = arith.mulf %convert_element_type3A_163, %mul3A_165 : vector<16xf32>
    %neg3A_167 = arith.constant 0.000000e+00 : f32
    %neg3A_168 = vector.broadcast %neg3A_167 : f32 to vector<16xf32>
    %neg3A_169 = arith.subf %neg3A_168, %mul3A_166 : vector<16xf32>
    %exp3A_170 = math.exp %neg3A_169 : vector<16xf32>
    %mul3A_171 = arith.mulf %scan3A_11#4, %exp3A_170 : vector<16xf32>
    %add3A_172 = arith.addf %mul3A_166, %mul3A_171 : vector<16xf32>
    %sub3A_173 = arith.constant 1.000000e+00 : f32
    %sub3A_174 = vector.broadcast %sub3A_173 : f32 to vector<16xf32>
    %sub3A_175 = arith.subf %add3A_172, %sub3A_174 : vector<16xf32>
    %neg3A_176 = arith.constant 0.000000e+00 : f32
    %neg3A_177 = vector.broadcast %neg3A_176 : f32 to vector<16xf32>
    %neg3A_178 = arith.subf %neg3A_177, %sub3A_175 : vector<16xf32>
    %exp3A_179 = math.exp %neg3A_178 : vector<16xf32>
    %mul3A_180 = arith.mulf %scan3A_11#4, %exp3A_179 : vector<16xf32>
    %add3A_181 = arith.addf %sub3A_175, %mul3A_180 : vector<16xf32>
    %sub3A_182 = arith.constant 1.000000e+00 : f32
    %sub3A_183 = vector.broadcast %sub3A_182 : f32 to vector<16xf32>
    %sub3A_184 = arith.subf %add3A_181, %sub3A_183 : vector<16xf32>
    %sub3A_185 = arith.subf %scan3A_11#12, %sub3A_184 : vector<16xf32>
    %exp3A_186 = math.exp %sub3A_185 : vector<16xf32>
    %sub3A_187 = arith.constant 1.000000e+00 : f32
    %sub3A_188 = vector.broadcast %sub3A_187 : f32 to vector<16xf32>
    %sub3A_189 = arith.subf %sub3A_188, %exp3A_186 : vector<16xf32>
    %sub3A_190 = arith.constant 1.000000e+00 : f32
    %sub3A_191 = vector.broadcast %sub3A_190 : f32 to vector<16xf32>
    %sub3A_192 = arith.subf %sub3A_191, %exp3A_186 : vector<16xf32>
    %mul3A_193 = arith.mulf %sub3A_189, %sub3A_192 : vector<16xf32>
    %mul3A_194 = arith.mulf %mul3A_193, %sub3A_185 : vector<16xf32>
    %swap3A_195 = arith.constant 64 : index
    %swap3A_196 = tpu.vector_load %arg7[%swap3A_195] {strides = array<i32>} : memref<128xf32, #tpu.memory_space<vmem>>, vector<16xf32>,
    tpu.vector_store %arg7[%swap3A_195], %mul3A_194 {strides = array<i32>} : memref<128xf32, #tpu.memory_space<vmem>>, vector<16xf32>,
    %bitcast3A_197 = vector.bitcast %scan3A_11#5 : vector<16xf32> to vector<16xi32>
    %sub3A_198 = arith.constant 1065353216 : i32
    %sub3A_199 = vector.broadcast %sub3A_198 : i32 to vector<16xi32>
    %sub3A_200 = arith.subi %bitcast3A_197, %sub3A_199 : vector<16xi32>
    %convert_element_type3A_201 = arith.sitofp %sub3A_200 : vector<16xi32> to vector<16xf32>
    %mul3A_202 = arith.constant 8.26295832E-8 : f32
    %mul3A_203 = vector.broadcast %mul3A_202 : f32 to vector<16xf32>
    %mul3A_204 = arith.mulf %convert_element_type3A_201, %mul3A_203 : vector<16xf32>
    %neg3A_205 = arith.constant 0.000000e+00 : f32
    %neg3A_206 = vector.broadcast %neg3A_205 : f32 to vector<16xf32>
    %neg3A_207 = arith.subf %neg3A_206, %mul3A_204 : vector<16xf32>
    %exp3A_208 = math.exp %neg3A_207 : vector<16xf32>
    %mul3A_209 = arith.mulf %scan3A_11#5, %exp3A_208 : vector<16xf32>
    %add3A_210 = arith.addf %mul3A_204, %mul3A_209 : vector<16xf32>
    %sub3A_211 = arith.constant 1.000000e+00 : f32
    %sub3A_212 = vector.broadcast %sub3A_211 : f32 to vector<16xf32>
    %sub3A_213 = arith.subf %add3A_210, %sub3A_212 : vector<16xf32>
    %neg3A_214 = arith.constant 0.000000e+00 : f32
    %neg3A_215 = vector.broadcast %neg3A_214 : f32 to vector<16xf32>
    %neg3A_216 = arith.subf %neg3A_215, %sub3A_213 : vector<16xf32>
    %exp3A_217 = math.exp %neg3A_216 : vector<16xf32>
    %mul3A_218 = arith.mulf %scan3A_11#5, %exp3A_217 : vector<16xf32>
    %add3A_219 = arith.addf %sub3A_213, %mul3A_218 : vector<16xf32>
    %sub3A_220 = arith.constant 1.000000e+00 : f32
    %sub3A_221 = vector.broadcast %sub3A_220 : f32 to vector<16xf32>
    %sub3A_222 = arith.subf %add3A_219, %sub3A_221 : vector<16xf32>
    %sub3A_223 = arith.subf %scan3A_11#13, %sub3A_222 : vector<16xf32>
    %exp3A_224 = math.exp %sub3A_223 : vector<16xf32>
    %sub3A_225 = arith.constant 1.000000e+00 : f32
    %sub3A_226 = vector.broadcast %sub3A_225 : f32 to vector<16xf32>
    %sub3A_227 = arith.subf %sub3A_226, %exp3A_224 : vector<16xf32>
    %sub3A_228 = arith.constant 1.000000e+00 : f32
    %sub3A_229 = vector.broadcast %sub3A_228 : f32 to vector<16xf32>
    %sub3A_230 = arith.subf %sub3A_229, %exp3A_224 : vector<16xf32>
    %mul3A_231 = arith.mulf %sub3A_227, %sub3A_230 : vector<16xf32>
    %mul3A_232 = arith.mulf %mul3A_231, %sub3A_223 : vector<16xf32>
    %swap3A_233 = arith.constant 80 : index
    %swap3A_234 = tpu.vector_load %arg7[%swap3A_233] {strides = array<i32>} : memref<128xf32, #tpu.memory_space<vmem>>, vector<16xf32>,
    tpu.vector_store %arg7[%swap3A_233], %mul3A_232 {strides = array<i32>} : memref<128xf32, #tpu.memory_space<vmem>>, vector<16xf32>,
    %bitcast3A_235 = vector.bitcast %scan3A_11#6 : vector<16xf32> to vector<16xi32>
    %sub3A_236 = arith.constant 1065353216 : i32
    %sub3A_237 = vector.broadcast %sub3A_236 : i32 to vector<16xi32>
    %sub3A_238 = arith.subi %bitcast3A_235, %sub3A_237 : vector<16xi32>
    %convert_element_type3A_239 = arith.sitofp %sub3A_238 : vector<16xi32> to vector<16xf32>
    %mul3A_240 = arith.constant 8.26295832E-8 : f32
    %mul3A_241 = vector.broadcast %mul3A_240 : f32 to vector<16xf32>
    %mul3A_242 = arith.mulf %convert_element_type3A_239, %mul3A_241 : vector<16xf32>
    %neg3A_243 = arith.constant 0.000000e+00 : f32
    %neg3A_244 = vector.broadcast %neg3A_243 : f32 to vector<16xf32>
    %neg3A_245 = arith.subf %neg3A_244, %mul3A_242 : vector<16xf32>
    %exp3A_246 = math.exp %neg3A_245 : vector<16xf32>
    %mul3A_247 = arith.mulf %scan3A_11#6, %exp3A_246 : vector<16xf32>
    %add3A_248 = arith.addf %mul3A_242, %mul3A_247 : vector<16xf32>
    %sub3A_249 = arith.constant 1.000000e+00 : f32
    %sub3A_250 = vector.broadcast %sub3A_249 : f32 to vector<16xf32>
    %sub3A_251 = arith.subf %add3A_248, %sub3A_250 : vector<16xf32>
    %neg3A_252 = arith.constant 0.000000e+00 : f32
    %neg3A_253 = vector.broadcast %neg3A_252 : f32 to vector<16xf32>
    %neg3A_254 = arith.subf %neg3A_253, %sub3A_251 : vector<16xf32>
    %exp3A_255 = math.exp %neg3A_254 : vector<16xf32>
    %mul3A_256 = arith.mulf %scan3A_11#6, %exp3A_255 : vector<16xf32>
    %add3A_257 = arith.addf %sub3A_251, %mul3A_256 : vector<16xf32>
    %sub3A_258 = arith.constant 1.000000e+00 : f32
    %sub3A_259 = vector.broadcast %sub3A_258 : f32 to vector<16xf32>
    %sub3A_260 = arith.subf %add3A_257, %sub3A_259 : vector<16xf32>
    %sub3A_261 = arith.subf %scan3A_11#14, %sub3A_260 : vector<16xf32>
    %exp3A_262 = math.exp %sub3A_261 : vector<16xf32>
    %sub3A_263 = arith.constant 1.000000e+00 : f32
    %sub3A_264 = vector.broadcast %sub3A_263 : f32 to vector<16xf32>
    %sub3A_265 = arith.subf %sub3A_264, %exp3A_262 : vector<16xf32>
    %sub3A_266 = arith.constant 1.000000e+00 : f32
    %sub3A_267 = vector.broadcast %sub3A_266 : f32 to vector<16xf32>
    %sub3A_268 = arith.subf %sub3A_267, %exp3A_262 : vector<16xf32>
    %mul3A_269 = arith.mulf %sub3A_265, %sub3A_268 : vector<16xf32>
    %mul3A_270 = arith.mulf %mul3A_269, %sub3A_261 : vector<16xf32>
    %swap3A_271 = arith.constant 96 : index
    %swap3A_272 = tpu.vector_load %arg7[%swap3A_271] {strides = array<i32>} : memref<128xf32, #tpu.memory_space<vmem>>, vector<16xf32>,
    tpu.vector_store %arg7[%swap3A_271], %mul3A_270 {strides = array<i32>} : memref<128xf32, #tpu.memory_space<vmem>>, vector<16xf32>,
    %bitcast3A_273 = vector.bitcast %scan3A_11#7 : vector<16xf32> to vector<16xi32>
    %sub3A_274 = arith.constant 1065353216 : i32
    %sub3A_275 = vector.broadcast %sub3A_274 : i32 to vector<16xi32>
    %sub3A_276 = arith.subi %bitcast3A_273, %sub3A_275 : vector<16xi32>
    %convert_element_type3A_277 = arith.sitofp %sub3A_276 : vector<16xi32> to vector<16xf32>
    %mul3A_278 = arith.constant 8.26295832E-8 : f32
    %mul3A_279 = vector.broadcast %mul3A_278 : f32 to vector<16xf32>
    %mul3A_280 = arith.mulf %convert_element_type3A_277, %mul3A_279 : vector<16xf32>
    %neg3A_281 = arith.constant 0.000000e+00 : f32
    %neg3A_282 = vector.broadcast %neg3A_281 : f32 to vector<16xf32>
    %neg3A_283 = arith.subf %neg3A_282, %mul3A_280 : vector<16xf32>
    %exp3A_284 = math.exp %neg3A_283 : vector<16xf32>
    %mul3A_285 = arith.mulf %scan3A_11#7, %exp3A_284 : vector<16xf32>
    %add3A_286 = arith.addf %mul3A_280, %mul3A_285 : vector<16xf32>
    %sub3A_287 = arith.constant 1.000000e+00 : f32
    %sub3A_288 = vector.broadcast %sub3A_287 : f32 to vector<16xf32>
    %sub3A_289 = arith.subf %add3A_286, %sub3A_288 : vector<16xf32>
    %neg3A_290 = arith.constant 0.000000e+00 : f32
    %neg3A_291 = vector.broadcast %neg3A_290 : f32 to vector<16xf32>
    %neg3A_292 = arith.subf %neg3A_291, %sub3A_289 : vector<16xf32>
    %exp3A_293 = math.exp %neg3A_292 : vector<16xf32>
    %mul3A_294 = arith.mulf %scan3A_11#7, %exp3A_293 : vector<16xf32>
    %add3A_295 = arith.addf %sub3A_289, %mul3A_294 : vector<16xf32>
    %sub3A_296 = arith.constant 1.000000e+00 : f32
    %sub3A_297 = vector.broadcast %sub3A_296 : f32 to vector<16xf32>
    %sub3A_298 = arith.subf %add3A_295, %sub3A_297 : vector<16xf32>
    %sub3A_299 = arith.subf %scan3A_11#15, %sub3A_298 : vector<16xf32>
    %exp3A_300 = math.exp %sub3A_299 : vector<16xf32>
    %sub3A_301 = arith.constant 1.000000e+00 : f32
    %sub3A_302 = vector.broadcast %sub3A_301 : f32 to vector<16xf32>
    %sub3A_303 = arith.subf %sub3A_302, %exp3A_300 : vector<16xf32>
    %sub3A_304 = arith.constant 1.000000e+00 : f32
    %sub3A_305 = vector.broadcast %sub3A_304 : f32 to vector<16xf32>
    %sub3A_306 = arith.subf %sub3A_305, %exp3A_300 : vector<16xf32>
    %mul3A_307 = arith.mulf %sub3A_303, %sub3A_306 : vector<16xf32>
    %mul3A_308 = arith.mulf %mul3A_307, %sub3A_299 : vector<16xf32>
    %swap3A_309 = arith.constant 112 : index
    %swap3A_310 = tpu.vector_load %arg7[%swap3A_309] {strides = array<i32>} : memref<128xf32, #tpu.memory_space<vmem>>, vector<16xf32>,
    tpu.vector_store %arg7[%swap3A_309], %mul3A_308 {strides = array<i32>} : memref<128xf32, #tpu.memory_space<vmem>>, vector<16xf32>,
    "tpu.region"() ({
      %run_scoped3A = tpu.sem_alloc : memref<!tpu.dma_semaphore, #tpu.memory_space<semaphore_mem>>
      %dma_start3A = tpu.memref_slice %arg4[%mul3A_6] : memref<4096xf32, #tpu.memory_space<hbm>> -> memref<128xf32, #tpu.memory_space<hbm>>
      %dma_start3A_311 = tpu.memref_slice %arg4[%mul3A_6] : memref<4096xf32, #tpu.memory_space<hbm>> -> memref<128xf32, #tpu.memory_space<hbm>>
      tpu.enqueue_dma source(%arg7 : memref<128xf32, #tpu.memory_space<vmem>>) target(%dma_start3A_311 : memref<128xf32, #tpu.memory_space<hbm>>) target_semaphore(%run_scoped3A : memref<!tpu.dma_semaphore, #tpu.memory_space<semaphore_mem>>)
      %dma_wait3A = tpu.memref_slice %arg4[%mul3A_6] : memref<4096xf32, #tpu.memory_space<hbm>> -> memref<128xf32, #tpu.memory_space<hbm>>
      %dma_wait3A_312 = tpu.memref_slice %arg4[%mul3A_6] : memref<4096xf32, #tpu.memory_space<hbm>> -> memref<128xf32, #tpu.memory_space<hbm>>
      tpu.wait_dma2 semaphore(%run_scoped3A : memref<!tpu.dma_semaphore, #tpu.memory_space<semaphore_mem>>) src(%arg7 : memref<128xf32, #tpu.memory_space<vmem>>) dst(%dma_wait3A_312 : memref<128xf32, #tpu.memory_space<hbm>>)
      tpu.yield
    }) : () -> ()
    return
  }
}

module attributes {stable_mosaic.version = 14 : i64} {
  func.func @_tc_focal_body(%arg0: i32, %arg1: memref<1000x2048xf32, #tpu.memory_space<vmem>>, %arg2: memref<1x1x2048xi32, #tpu.memory_space<vmem>>, %arg3: memref<1x1x2048xf32, #tpu.memory_space<vmem>>) attributes {dimension_semantics = [#tpu.dimension_semantics<arbitrary>], iteration_bounds = array<i64: 6>, scalar_prefetch = 0 : i64, scratch_operands = 0 : i64, tpu.core_type = #tpu.core_type<tc>, window_params = [{transform_indices = @transform_0, window_bounds = array<i64: 1000, 2048>}, {transform_indices = @transform_1, window_bounds = array<i64: 1, 1, 2048>}, {transform_indices = @transform_2, window_bounds = array<i64: 1, 1, 2048>}]} {
    %get3A = arith.constant 0 : index
    %get3A_0 = arith.constant 0 : index
    %get3A_1 = vector.load %arg1[%get3A, %get3A_0] : memref<1000x2048xf32, #tpu.memory_space<vmem>>, vector<1000x2048xf32>
    %get3A_2 = arith.constant 0 : index
    %get3A_3 = arith.constant 0 : index
    %get3A_4 = arith.constant 0 : index
    %get3A_5 = vector.load %arg2[%get3A_2, %get3A_3, %get3A_4] : memref<1x1x2048xi32, #tpu.memory_space<vmem>>, vector<1x1x2048xi32>
    %get3A_6 = vector.shape_cast %get3A_5 : vector<1x1x2048xi32> to vector<2048xi32>
    %iota3A = tpu.iota {dimensions = array<i32: 0>} : vector<1000x2048xi32>
    %broadcast_in_dim3A = vector.shape_cast %get3A_6 : vector<2048xi32> to vector<1x2048xi32>
    %eq3A = vector.broadcast %broadcast_in_dim3A : vector<1x2048xi32> to vector<1000x2048xi32>
    %eq3A_7 = arith.cmpi eq, %iota3A, %eq3A : vector<1000x2048xi32>
    %jit3A = arith.constant 0.000000e+00 : f32
    %broadcast_in_dim3A_8 = vector.broadcast %jit3A : f32 to vector<1000x2048xf32>
    %select_n3A = arith.select %eq3A_7, %get3A_1, %broadcast_in_dim3A_8 : vector<1000x2048xi1>, vector<1000x2048xf32>
    %reduce_sum3A = arith.constant dense<0.000000e+00> : vector<2048xf32>
    %reduce_sum3A_9 = vector.multi_reduction <add>, %select_n3A, %reduce_sum3A [0] : vector<1000x2048xf32> to vector<2048xf32>
    %reduce_max3A = arith.constant dense<0xFF800000> : vector<2048xf32>
    %reduce_max3A_10 = vector.multi_reduction <maximumf>, %get3A_1, %reduce_max3A [0] : vector<1000x2048xf32> to vector<2048xf32>
    %broadcast_in_dim3A_11 = vector.shape_cast %reduce_max3A_10 : vector<2048xf32> to vector<1x2048xf32>
    %sub3A = vector.broadcast %broadcast_in_dim3A_11 : vector<1x2048xf32> to vector<1000x2048xf32>
    %sub3A_12 = arith.subf %get3A_1, %sub3A : vector<1000x2048xf32>
    %exp3A = math.exp %sub3A_12 : vector<1000x2048xf32>
    %reduce_sum3A_13 = arith.constant dense<0.000000e+00> : vector<2048xf32>
    %reduce_sum3A_14 = vector.multi_reduction <add>, %exp3A, %reduce_sum3A_13 [0] : vector<1000x2048xf32> to vector<2048xf32>
    %log3A = math.log %reduce_sum3A_14 : vector<2048xf32>
    %add3A = arith.addf %reduce_max3A_10, %log3A : vector<2048xf32>
    %sub3A_15 = arith.subf %reduce_sum3A_9, %add3A : vector<2048xf32>
    %exp3A_16 = math.exp %sub3A_15 : vector<2048xf32>
    %sub3A_17 = arith.constant 1.000000e+00 : f32
    %sub3A_18 = vector.broadcast %sub3A_17 : f32 to vector<2048xf32>
    %sub3A_19 = arith.subf %sub3A_18, %exp3A_16 : vector<2048xf32>
    %sub3A_20 = arith.constant 1.000000e+00 : f32
    %sub3A_21 = vector.broadcast %sub3A_20 : f32 to vector<2048xf32>
    %sub3A_22 = arith.subf %sub3A_21, %exp3A_16 : vector<2048xf32>
    %mul3A = arith.mulf %sub3A_19, %sub3A_22 : vector<2048xf32>
    %mul3A_23 = arith.mulf %mul3A, %sub3A_15 : vector<2048xf32>
    %swap3A = arith.constant 0 : index
    %swap3A_24 = arith.constant 0 : index
    %swap3A_25 = arith.constant 0 : index
    %swap3A_26 = vector.load %arg3[%swap3A, %swap3A_24, %swap3A_25] : memref<1x1x2048xf32, #tpu.memory_space<vmem>>, vector<1x1x2048xf32>
    %swap3A_27 = vector.shape_cast %swap3A_26 : vector<1x1x2048xf32> to vector<2048xf32>
    %swap3A_28 = vector.shape_cast %mul3A_23 : vector<2048xf32> to vector<1x1x2048xf32>
    tpu.vector_store %arg3[%swap3A, %swap3A_24, %swap3A_25], %swap3A_28 {strides = array<i32>} : memref<1x1x2048xf32, #tpu.memory_space<vmem>>, vector<1x1x2048xf32>,
    return
  }
  func.func @transform_0(%arg0: i32) -> (i32, i32) {
    %c0_i32 = arith.constant 0 : i32
    %c0_i32_0 = arith.constant 0 : i32
    return %c0_i32, %arg0 : i32, i32
  }
  func.func @transform_1(%arg0: i32) -> (i32, i32, i32) {
    %c0_i32 = arith.constant 0 : i32
    %c0_i32_0 = arith.constant 0 : i32
    %c0_i32_1 = arith.constant 0 : i32
    return %arg0, %c0_i32, %c0_i32_0 : i32, i32, i32
  }
  func.func @transform_2(%arg0: i32) -> (i32, i32, i32) {
    %c0_i32 = arith.constant 0 : i32
    %c0_i32_0 = arith.constant 0 : i32
    %c0_i32_1 = arith.constant 0 : i32
    return %arg0, %c0_i32, %c0_i32_0 : i32, i32, i32
  }
}

</mosaic_0001>

<sc_bundles>
// kernel: kernel.4.cloned.1.call-start
scs
__scs_entry_jumppad:
0x0: {  	(pc) =	sbr.rel $0x88, $3  }
0x1: {  	(tag) =	ssettag $0x0;
	lr =	simm.s32 $0x1  }
0x2: {  	[smem:$0x3F9F] =	sst lr;
	_ =	strace $0xD0000000  }
0x3: {  	_ = 	snop  }
0x4: {  	_ = 	snop  }
0x5: {  	_ = 	snop  }
0x6: {  	_ = 	snop  }
0x7: {  	_ = 	snop  }
__scs_overlays_trampoline_lowered:
0x8: {  	[smem:$0x3FAE] =	sst s0  }
0x9: {  	[smem:$0x3FAF] =	sst s1  }
0xa: {  	[smem:$0x3FB0] =	sst s2  }
0xb: {  	[smem:$0x3FB1] =	sst s3  }
0xc: {  	[smem:$0x3FB2] =	sst s4  }
0xd: {  	[smem:$0x3FB3] =	sst s5  }
0xe: {  	[smem:$0x3FB4] =	sst s6  }
0xf: {  	[smem:$0x3FB5] =	sst s7  }
0x10: {  	[smem:$0x3FB6] =	sst s8  }
0x11: {  	[smem:$0x3FB7] =	sst s9;
	s0 =	simm.s32 @!p0 $0x0  }
0x12: {  	s1 =	sld [smem:$0x3F9D];
	s0 =	simm.s32 @p0 $0x1  }
0x13: {  	[smem:$0x3FB8] =	sst s0;
	s0 =	simm.s32 @!p1 $0x0  }
0x14: {  	s2 =	sld [smem:$0x3F9C];
	s0 =	simm.s32 @p1 $0x1  }
0x15: {  	[smem:$0x3FB9] =	sst s0;
	s0 =	simm.s32 @!p2 $0x0  }
0x16: {  	s3 =	sld [smem:$0x3FDB];
	s0 =	simm.s32 @p2 $0x1  }
0x17: {  	s4 =	simm.s32 $0x1BF5;
	[smem:$0x3FBB] =	sst s0  }
0x18: {  	s0 =	sld [smem:$0x3F9E];
	_ =	swait.ge [sflag:s4], $0x0  }
0x19: {  	s7 =	sld [smem:$0x3F9F]  }
0x1a: {  	s8 =	sadd.s32 $0xFFFFE003, lr  }
0x1b: {  	s9 =	sadd.s32 $0xFFFFFEF7, lr;
	s5 =	simm.s32 $0xFFFFFFFF;
	p2 =	slt.u32 s8, $0xFFFFF086  }
0x1c: {  	p1 =	slt.u32 s9, $0xF7A;
	s5 =	simm.s32 @!p2 $0x0  }
0x1d: {  	s5 =	simm.s32 @p1 $0x1;
	p0 =	seq.s32 s7, s2  }
0x1e: {  	s7 =	smul.u32 @!p0 $0xF7A, s2;
	p2 =	seq.s32 @!p0 s5, $0x0  }
0x1f: {  	s9 =	smul.u32 $0xF7A, s1;
	s8 =	simm.s32 @!p0 $0x1BF5;
	p2 =	por !p2, p0  }
0x20: {  	[sflag:s8] =	ssyncset.s32 @!p0 $0xFFFFF086;
	s6 =	sadd.s32 @!p0 s3, s7;
	s7 =	simm.s32 @!p0 $0x108  }
0x21: {  	s3 =	sadd.s32 s3, s9;
	s6 =	sadd.s32 @!p0 $0x88, s6;
	s7 =	simm.s32 @p2 $0x1082  }
0x22: {  	[simem:s7], [sflag:s8] =	dma.local @!p0 [hbm:s6], $0xF7A  }
0x23: {  	s9 =	sor.u32 $0xD0000000, s2;
	s6 =	simm.s32 $0x108;
	_ =	swait.ge @!p0 [sflag:s8], $0x0  }
0x24: {  	s3 =	sadd.s32 $0x88, s3;
	s6 =	simm.s32 @!p1 $0x1082;
	[sflag:s4] =	ssyncset.s32 $0xFFFFF086  }
0x25: {  	[simem:s6], [sflag:s4] =	dma.local [hbm:s3], $0xF7A  }
0x26: {  	[smem:$0x3F9F] =	sst s1;
	(tag) =	ssettag s2;
	_ =	strace s9  }
0x27: {  	s1 =	sld [smem:$0x3FAF]  }
0x28: {  	s2 =	sld [smem:$0x3FB0]  }
0x29: {  	s4 =	sld [smem:$0x3FB2]  }
0x2a: {  	p0 =	seq.s32 s5, $0x0;
	s5 =	sld [smem:$0x3FB3]  }
0x2b: {  	s6 =	sld [smem:$0x3FB4]  }
0x2c: {  	s7 =	sld [smem:$0x3FB5]  }
0x2d: {  	s3 =	simm.s32 $0x108;
	s8 =	sld [smem:$0x3FB6]  }
0x2e: {  	s3 =	simm.s32 @!p0 $0x1082;
	s9 =	sld [smem:$0x3FB7]  }
0x2f: {  	lr =	sadd.s32 s0, s3;
	s0 =	sld [smem:$0x3FAE]  }
0x30: {  	s3 =	sld [smem:$0x3FB1]  }
0x31: {  	[smem:$0x3FBA] =	sst s10  }
0x32: {  	s10 =	sld [smem:$0x3FB8];
	_ =	sdelay $0x3  }
0x33: {  	p0 =	seq.s32 s10, $0x1;
	s10 =	sld [smem:$0x3FBA];
	_ =	sdelay $0x3  }
0x34: {  	[smem:$0x3FBA] =	sst s10  }
0x35: {  	s10 =	sld [smem:$0x3FB9];
	_ =	sdelay $0x3  }
0x36: {  	p1 =	seq.s32 s10, $0x1;
	s10 =	sld [smem:$0x3FBA];
	_ =	sdelay $0x3  }
0x37: {  	[smem:$0x3FBA] =	sst s10  }
0x38: {  	s10 =	sld [smem:$0x3FBB]  }
0x39: {  	_ = 	snop;
	(pc) =	sbr.ind lr, $3  }
0x3a: {  	_ = 	snop  }
0x3b: {  	_ = 	snop  }
0x3c: {  	p2 =	seq.s32 s10, $0x1;
	s10 =	sld [smem:$0x3FBA]  }
0x3d: {  	_ =	shalt  }
0x3e: {  	_ =	shalt  }
0x3f: {  	_ =	shalt  }
0x40: {  	_ =	shalt  }
0x41: {  	_ =	shalt  }
0x42: {  	_ =	shalt  }
0x43: {  	_ =	shalt  }
0x44: {  	_ =	shalt  }
0x45: {  	_ =	shalt  }
0x46: {  	_ =	shalt  }
0x47: {  	_ =	shalt  }
0x48: {  	_ =	shalt  }
0x49: {  	_ =	shalt  }
0x4a: {  	_ =	shalt  }
0x4b: {  	_ =	shalt  }
0x4c: {  	_ =	shalt  }
0x4d: {  	_ =	shalt  }
0x4e: {  	_ =	shalt  }
0x4f: {  	_ =	shalt  }
0x50: {  	_ =	shalt  }
0x51: {  	_ =	shalt  }
0x52: {  	_ =	shalt  }
0x53: {  	_ =	shalt  }
0x54: {  	_ =	shalt  }
0x55: {  	_ =	shalt  }
0x56: {  	_ =	shalt  }
0x57: {  	_ =	shalt  }
0x58: {  	_ =	shalt  }
0x59: {  	_ =	shalt  }
0x5a: {  	_ =	shalt  }
0x5b: {  	_ =	shalt  }
0x5c: {  	_ =	shalt  }
0x5d: {  	_ =	shalt  }
0x5e: {  	_ =	shalt  }
0x5f: {  	_ =	shalt  }
0x60: {  	_ =	shalt  }
0x61: {  	_ =	shalt  }
0x62: {  	_ =	shalt  }
0x63: {  	_ =	shalt  }
0x64: {  	_ =	shalt  }
0x65: {  	_ =	shalt  }
0x66: {  	_ =	shalt  }
0x67: {  	_ =	shalt  }
0x68: {  	_ =	shalt  }
0x69: {  	_ =	shalt  }
0x6a: {  	_ =	shalt  }
0x6b: {  	_ =	shalt  }
0x6c: {  	_ =	shalt  }
0x6d: {  	_ =	shalt  }
0x6e: {  	_ =	shalt  }
0x6f: {  	_ =	shalt  }
0x70: {  	_ =	shalt  }
0x71: {  	_ =	shalt  }
0x72: {  	_ =	shalt  }
0x73: {  	_ =	shalt  }
0x74: {  	_ =	shalt  }
0x75: {  	_ =	shalt  }
0x76: {  	_ =	shalt  }
0x77: {  	_ =	shalt  }
0x78: {  	_ =	shalt  }
0x79: {  	_ =	shalt  }
0x7a: {  	_ =	shalt  }
0x7b: {  	_ =	shalt  }
0x7c: {  	_ =	shalt  }
0x7d: {  	_ =	shalt  }
0x7e: {  	_ =	shalt  }
0x7f: {  	_ =	shalt  }
0x80: {  	_ =	shalt  }
0x81: {  	_ =	shalt  }
0x82: {  	_ =	shalt  }
0x83: {  	_ =	shalt  }
0x84: {  	_ =	shalt  }
0x85: {  	_ =	shalt  }
0x86: {  	_ =	shalt  }
0x87: {  	_ =	shalt  }
.Lfunc_end0:
.L_simem_size_0:
called_computation_lowered:
.L_overlay_start_0:
0x88: {  	s2 =	sld [smem:$0x3FD9]  }
0x89: {  	s3 =	sld [smem:$0x3FFE];
	_ =	sdelay $0x1  }
0x8a: {  	s1 =	srdreg.scid  }
0x8b: {  	s0 =	sand.u32 $0x1, s1  }
0x8c: {  	s17 =	sshll.u32 s0, $0xA;
	s2 =	sadd.s32 s3, s2  }
0x8d: {  	s2 =	sadd.s32 s2, s17  }
0x8e: {  	[smem:$0x3FC6] =	sst s2  }
0x8f: {  	_ = 	snop  }
0x90: {  	s2 =	sld [smem:$0x3FC9]  }
0x91: {  	s18 =	sld [smem:$0x3FC8];
	(tm) =	ssettm $0x1  }
0x92: {  	s4 =	sld [smem:$0x3FFB];
	_ =	sdelay $0x3  }
0x93: {  	_ =	strace s4  }
0x94: {  	s4 =	sld [smem:$0x3FFC];
	_ =	sdelay $0x3  }
0x95: {  	_ =	strace s4  }
0x96: {  	s4 =	sld [smem:$0x3FFD];
	_ =	sdelay $0x3  }
0x97: {  	_ =	strace s4  }
0x98: {  	_ =	strace $0x8FFFFFFF  }
0x99: {  	s19 =	sld [smem:$0x3FDB];
	_ =	sdelay $0x1  }
0x9a: {  	s5 =	simm.s32 $_scs_section_size  }
0x9b: {  	s6 =	simm.s32 $_size__tile_overlayer_lowered;
	s7 =	simm.s32 $_tile_overlayer_lowered  }
0x9c: {  	s22 =	simm.s32 $0x1BFF;
	s21 =	sshll.u32 s7, $0x1;
	s4 =	sadd.s32 s5, s19  }
0x9d: {  	s8 =	simm.s32 $0x0;
	s20 =	sshll.u32 s6, $0x1;
	s6 =	sadd.s32 s21, s4  }
0x9e: {  	[timem:s8], [sflag:s22] =	dma.local [hbm:s6], s20  }
0x9f: {  	_ =	swait.ge [sflag:s22], s20  }
0xa0: {  	s5 =	ssub.s32 $0x0, s20;
	[sflag:s22] =	ssyncset.done $0x0  }
0xa1: {  	[sflag:s22] =	ssyncadd.s32 s5;
	_ =	sdelay $0x1  }
0xa2: {  	s23 =	simm.s32 $0x1B8B  }
0xa3: {  	_ =	swait.ge [sflag:s23], $0x1  }
0xa4: {  	[sflag:s23] =	ssyncset.done $0x0  }
0xa5: {  	s25 =	simm.s32 $0x1B8E;
	s24 =	sld [smem:$0x3FFE];
	[sflag:s23] =	ssyncadd.s32 $0xFFFFFFFF  }
0xa6: {  	s26 =	simm.s32 $execute0_lowered;
	[smem:$0x3FD2] =	sst s25  }
0xa7: {  	s6 =	sshll.u32 s26, $0x1;
	_ =	strace $0x80000046;
	[dreg:$0x1] =	wrdreg $0xFFFFFFFF  }
0xa8: {  	s28 =	simm.s32 $_size_execute0_lowered;
	s4 =	sadd.s32 s4, s6;
	[dreg:$0x0] =	wrdreg $0x0  }
0xa9: {  	s6 =	sshll.u32 s28, $0x1;
	[dreg:$0x2] =	wrdreg s4  }
0xaa: {  	[dreg:$0x3] =	wrdreg s6  }
0xab: {  	[dreg:$0x4] =	wrdreg $0xC0  }
0xac: {  	_ =	task [dreg:s8], $0x5FFFF  }
0xad: {  	[dreg:$0x1] =	wrdreg $0xFFFFFFFF  }
0xae: {  	[dreg:$0x0] =	wrdreg $0x60  }
0xaf: {  	[dreg:$0x2] =	wrdreg s2  }
0xb0: {  	[dreg:$0x3] =	wrdreg s18  }
0xb1: {  	[dreg:$0x4] =	wrdreg s24  }
0xb2: {  	[dreg:$0x5] =	wrdreg $0x9  }
0xb3: {  	_ =	task.clear_ibuf [dreg:s8], $0x6FFFF;
	_ =	strace $0x90000046  }
0xb4: {  	s29 =	simm.s32 $0x9;
	_ =	strace $0x80000048  }
0xb5: {  	_ =	swait.ge [sflag:s29], $0x1  }
0xb6: {  	[sflag:s29] =	ssyncadd.s32 $0xFFFFFFFF  }
0xb7: {  	_ =	strace $0x90000048  }
0xb8: {  	_ =	sfence  }
0xb9: {  	s30 =	sld [smem:$0x0];
	_ =	sdelay $0x2  }
0xba: {  	s31 =	sshll.u32 s1, $0xD;
	s1 =	sshrl.u32 s1, $0x2  }
0xbb: {  	s3 =	sand.u32 $0x4000, s31;
	s1 =	sadd.s32 s1, s30  }
0xbc: {  	s0 =	sor.u32 s3, s0;
	s1 =	sshll.u32 s1, $0x11  }
0xbd: {  	s0 =	sor.u32 s1, s0  }
0xbe: {  	s0 =	sadd.s32 $0x8F2B, s0  }
0xbf: {  	[sflag:s0] =	ssyncadd.remote.s32 $0x1  }
0xc0: {  	_ =	sfence.sel $0xFFFF  }
0xc1: {  	[dreg:$0x0] =	wrdreg $0xFFFFFFFF;
	(pc) =	sbr.abs _section_cstart, $3  }
0xc2: {  	[dreg:$0x1] =	wrdreg $0xFFFFFFFF  }
0xc3: {  	_ =	task.clear_ibuf [dreg:s8], $0x2FFFF;
	_ =	strace $0x9FFFFFFF  }
0xc4: {  	(tm) =	ssettm $0x7FFFFFFF  }
0xc5: {  	_ =	shalt  }
tec
execute0_lowered:
.L_overlay_start_1:
0x0: {  	(tag) =	ssettag $0x1  }
0x1: {  	s4 =	rddreg [dreg:$0x0]  }
0x2: {  	s3 =	rddreg [dreg:$0x1]  }
0x3: {  	s5 =	rddreg [dreg:$0x2];
	s2 =	srdreg.scid  }
0x4: {  	s0 =	rddreg [dreg:$0x3];
	s1 =	stileid.u32;
	s11 =	simm.s32 $0x6480  }
0x5: {  	s12 =	simm.s32 $0x0;
	s16 =	simm.s32 $0x100;
	s6 =	sand.u32 $0x1, s2  }
0x6: {  	s2 =	simm.s32 $0x0;
	s7 =	sshll.u32 s1, $0x8;
	s8 =	sshll.u32 s6, $0x7  }
0x7: {  	[smem:$0x7FF] =	sst s2;
	s6 =	ssub.s32 $0x2, s6;
	s7 =	sor.u32 s8, s7  }
0x8: {  	_ =	strace $0x80000047;
	s9 =	sshrl.u32 s6, $0x1;
	s8 =	sor.u32 $0x3000, s7  }
0x9: {  	v0 =	vlaneseq.u32;
	s7 =	sshrl.u32 s7, $0x3;
	s6 =	ssub.s32 s6, s9;
	s9 =	simm.s32 $0x400  }
0xa: {  	v1 =	vor.u32 $0x10, v0;
	s10 =	sshrl.u32 s8, $0x3;
	s5 =	sadd.s32 s7, s5;
	s4 =	sadd.s32 s4, s8  }
0xb: {  	v2 =	vor.u32 $0x20, v0;
	v3 =	vor.u32 $0x30, v0;
	v4 =	vor.u32 $0x40, v0;
	s6 =	smax.u32 s6, $0x1;
	s7 =	simm.s32 $0x6400;
	s8 =	simm.s32 $0x1  }
0xc: {  	v5 =	vor.u32 $0x50, v0;
	v6 =	vor.u32 $0x60, v0;
	v7 =	vor.u32 $0x70, v0;
	s3 =	sadd.s32 s3, s10;
	s5 =	sadd.s32 $0x600, s5;
	s10 =	simm.s32 $0x20000  }
.LBB2_1:
0xd: {  	v8 =	vimm.f32 $0.0e+00  }
0xe: {  	v9 =	vimm.f32 $0.0e+00;
	v10 =	vimm.f32 $0.0e+00;
	v11 =	vimm.f32 $0.0e+00  }
0xf: {  	[tilespmem:s7], [sflag:$0x1] =	stream.linear.gather [hbm4b:s3+s2], $0x80, $0x38;
	v12 =	vimm.f32 $0.0e+00;
	v13 =	vimm.f32 $0.0e+00;
	v14 =	vimm.f32 $0.0e+00;
	[tilespmem:$0x6500] =	vst v63  }
0x10: {  	v15 =	vimm.f32 $0.0e+00;
	v16 =	vimm.f32 $0.0e+00;
	v17 =	vimm.f32 $0.0e+00;
	_ =	swait.ge [sflag:s8], $0x80  }
0x11: {  	v18 =	vimm.f32 $0.0e+00;
	v20 =	vimm.f32 $0.0e+00;
	v22 =	vimm.f32 $0.0e+00;
	[sflag:s8] =	ssyncset.done $0x0  }
0x12: {  	v23 =	vimm.f32 $0.0e+00;
	v19 =	vimm.f32 $0.0e+00;
	v21 =	vimm.f32 $0.0e+00;
	s13 =	simm.s32 $0x0;
	[sflag:s8] =	ssyncadd.s32 $0xFFFFFF80  }
.LBB2_2:
0x13: {  	s14 =	smul.u32 $0x64000, s13;
	_ =	sdelay $0x1  }
0x14: {  	s15 =	simm.s32 $0x0;
	s14 =	sadd.s32 s14, s4  }
0x15: {  	[tilespmem:s15], [sflag:$0x1] =	stream.strided.gather [hbm4b:s14+s9], $0x6400, s10, s9, $0x38;
	[tilespmem:$0x6500] =	vst v63  }
0x16: {  	_ =	swait.ge [sflag:s8], $0x6400  }
0x17: {  	[sflag:s8] =	ssyncset.done $0x0  }
0x18: {  	s30 =	simm.s32 $0x0;
	[sflag:s8] =	ssyncadd.s32 $0xFFFF9C00  }
0x19: {  	v24 =	vld [tilespmem:s30+$0x70]  }
0x1a: {  	v25 =	vld [tilespmem:s30+$0x0]  }
0x1b: {  	v26 =	vld [tilespmem:s30+$0x10]  }
0x1c: {  	v27 =	vld [tilespmem:s30+$0x20]  }
0x1d: {  	v28 =	vld [tilespmem:s30+$0x30]  }
0x1e: {  	v29 =	vld [tilespmem:s30+$0x40]  }
0x1f: {  	v30 =	vld [tilespmem:s30+$0x50];
	v24 =	vmul.f32 $1.442695020e+00, v24  }
0x20: {  	s31 =	simm.s32 $0x80;
	v31 =	vld [tilespmem:s30+$0x60];
	v25 =	vmul.f32 $1.442695020e+00, v25;
	v26 =	vmul.f32 $1.442695020e+00, v26  }
0x21: {  	v27 =	vmul.f32 $1.442695020e+00, v27;
	(erf) = vpow2.f32 v24;
	v24 =	vld [tilespmem:s31+$0x70]  }
0x22: {  	v28 =	vmul.f32 $1.442695020e+00, v28;
	(erf) = vpow2.f32 v25;
	v25 =	vld [tilespmem:s31+$0x0]  }
0x23: {  	v29 =	vmul.f32 $1.442695020e+00, v29;
	(erf) = vpow2.f32 v26;
	v26 =	vld [tilespmem:s31+$0x10]  }
0x24: {  	v30 =	vmul.f32 $1.442695020e+00, v30;
	(erf) = vpow2.f32 v27;
	v27 =	vld [tilespmem:s31+$0x20]  }
0x25: {  	v31 =	vmul.f32 $1.442695020e+00, v31;
	(erf) = vpow2.f32 v28;
	v28 =	vld [tilespmem:s31+$0x30]  }
0x26: {  	v32 =	vld [tilespmem:s16+$0x70];
	(erf) = vpow2.f32 v29;
	v24 =	vmul.f32 $1.442695020e+00, v24  }
0x27: {  	v29 =	vld [tilespmem:s31+$0x40];
	(erf) = vpow2.f32 v30;
	v25 =	vmul.f32 $1.442695020e+00, v25  }
0x28: {  	v30 =	vld [tilespmem:s31+$0x50];
	(erf) = vpow2.f32 v31;
	v26 =	vmul.f32 $1.442695020e+00, v26  }
0x29: {  	v31 =	vld [tilespmem:s31+$0x60];
	(erf) = vpow2.f32 v24;
	v24 =	vmul.f32 $1.442695020e+00, v27  }
0x2a: {  	(erf) = vpow2.f32 v25;
	v28 =	vmul.f32 $1.442695020e+00, v28  }
0x2b: {  	v32 =	vmul.f32 $1.442695020e+00, v32;
	v25 =	vpop (erf);
	(erf) = vpow2.f32 v26  }
0x2c: {  	v27 =	vld [tilespmem:s16+$0x0];
	v26 =	vmul.f32 $1.442695020e+00, v29;
	v16 =	vadd.f32 v25, v16;
	v25 =	vpop (erf);
	(erf) = vpow2.f32 v24  }
0x2d: {  	v33 =	vld [tilespmem:s16+$0x10];
	v29 =	vmul.f32 $1.442695020e+00, v30;
	v21 =	vadd.f32 v25, v21;
	v25 =	vpop (erf);
	(erf) = vpow2.f32 v28  }
0x2e: {  	v24 =	vld [tilespmem:s16+$0x20];
	v31 =	vmul.f32 $1.442695020e+00, v31;
	v28 =	vpop (erf);
	(erf) = vpow2.f32 v26  }
0x2f: {  	v19 =	vadd.f32 v25, v19;
	v25 =	vld [tilespmem:s16+$0x30];
	v23 =	vadd.f32 v28, v23;
	v28 =	vpop (erf);
	(erf) = vpow2.f32 v29  }
0x30: {  	v26 =	vld [tilespmem:s16+$0x40];
	v22 =	vadd.f32 v28, v22;
	v28 =	vpop (erf);
	(erf) = vpow2.f32 v31  }
0x31: {  	v30 =	vmul.f32 $1.442695020e+00, v27;
	v27 =	vld [tilespmem:s16+$0x50];
	v29 =	vpop (erf);
	(erf) = vpow2.f32 v32  }
0x32: {  	s14 =	simm.s32 $0x180;
	s15 =	simm.s32 $0x800;
	v31 =	vmul.f32 $1.442695020e+00, v33;
	v20 =	vadd.f32 v28, v20;
	v28 =	vld [tilespmem:s16+$0x60];
	v18 =	vadd.f32 v29, v18;
	v29 =	vpop (erf)  }
.LBB2_3:
0x33: {  	p0 =	sne.s32 s15, $0x18E00;
	v32 =	vld [tilespmem:s14+$0x70];
	v24 =	vmul.f32 $1.442695020e+00, v24;
	(erf) = vpow2.f32 v30;
	v30 =	vpop (erf);
	v17 =	vadd.f32 v29, v17  }
0x34: {  	v29 =	vld [tilespmem:s14+$0x0];
	v25 =	vmul.f32 $1.442695020e+00, v25;
	(erf) = vpow2.f32 v31;
	v16 =	vadd.f32 v30, v16;
	v30 =	vpop (erf)  }
0x35: {  	v31 =	vld [tilespmem:s14+$0x10];
	v26 =	vmul.f32 $1.442695020e+00, v26;
	(erf) = vpow2.f32 v24;
	v21 =	vadd.f32 v30, v21;
	v30 =	vpop (erf)  }
.Ltmp0:
0x36: {  	v24 =	vld [tilespmem:s14+$0x20];
	v27 =	vmul.f32 $1.442695020e+00, v27;
	(erf) = vpow2.f32 v25;
	v19 =	vadd.f32 v30, v19;
	v30 =	vpop (erf);
	(pc) =	sbr.rel @p0 .LBB2_3-.Ltmp0, $4  }
0x37: {  	v25 =	vld [tilespmem:s14+$0x30];
	v28 =	vmul.f32 $1.442695020e+00, v28;
	(erf) = vpow2.f32 v26;
	v23 =	vadd.f32 v30, v23;
	v30 =	vpop (erf)  }
0x38: {  	v26 =	vld [tilespmem:s14+$0x40];
	v32 =	vmul.f32 $1.442695020e+00, v32;
	(erf) = vpow2.f32 v27;
	v22 =	vadd.f32 v30, v22;
	v33 =	vpop (erf)  }
0x39: {  	v30 =	vmul.f32 $1.442695020e+00, v29;
	v27 =	vld [tilespmem:s14+$0x50];
	(erf) = vpow2.f32 v28;
	v20 =	vadd.f32 v33, v20;
	v29 =	vpop (erf)  }
0x3a: {  	v31 =	vmul.f32 $1.442695020e+00, v31;
	v28 =	vld [tilespmem:s14+$0x60];
	s14 =	sshra.s32 s15, $0x2;
	s15 =	sadd.s32 $0x200, s15;
	(erf) = vpow2.f32 v32;
	v18 =	vadd.f32 v29, v18;
	v29 =	vpop (erf)  }
0x3b: {  	v32 =	vld [tilespmem:s14+$0x70]  }
0x3c: {  	v33 =	vld [tilespmem:s14+$0x0]  }
0x3d: {  	v34 =	vld [tilespmem:s14+$0x10]  }
0x3e: {  	v35 =	vld [tilespmem:s14+$0x20]  }
0x3f: {  	v24 =	vmul.f32 $1.442695020e+00, v24;
	v36 =	vld [tilespmem:s14+$0x30]  }
0x40: {  	(erf) = vpow2.f32 v30;
	v49 =	vld [tilespmem:s14+$0x40];
	v25 =	vmul.f32 $1.442695020e+00, v25  }
0x41: {  	v41 =	vpop (erf);
	v51 =	vld [tilespmem:s14+$0x50];
	(erf) = vpow2.f32 v31;
	v26 =	vmul.f32 $1.442695020e+00, v26  }
0x42: {  	v17 =	vadd.f32 v29, v17;
	v53 =	vld [tilespmem:s14+$0x60];
	v42 =	vpop (erf);
	(erf) = vpow2.f32 v24;
	v27 =	vmul.f32 $1.442695020e+00, v27  }
0x43: {  	v61 =	vld [tilespmem:$0x6400];
	s31 =	smul.u32 $0xC8, s13;
	v16 =	vadd.f32 v41, v16;
	v43 =	vpop (erf);
	(erf) = vpow2.f32 v25;
	v28 =	vmul.f32 $1.442695020e+00, v28  }
0x44: {  	v63 =	vld [tilespmem:$0x6410];
	v21 =	vadd.f32 v42, v21;
	v44 =	vpop (erf);
	(erf) = vpow2.f32 v26;
	v32 =	vmul.f32 $1.442695020e+00, v32  }
0x45: {  	v41 =	vmov s31;
	(erf) = vpow2.f32 v27;
	v33 =	vmul.f32 $1.442695020e+00, v33  }
0x46: {  	v19 =	vadd.f32 v43, v19;
	v34 =	vmul.f32 $1.442695020e+00, v34;
	v55 =	vmul.f32 $1.442695020e+00, v35  }
0x47: {  	v45 =	vpop (erf);
	v23 =	vadd.f32 v44, v23;
	v57 =	vmul.f32 $1.442695020e+00, v36;
	v29 =	vmul.f32 $1.442695020e+00, v49  }
0x48: {  	v22 =	vadd.f32 v45, v22;
	v30 =	vmul.f32 $1.442695020e+00, v51;
	v24 =	vmul.f32 $1.442695020e+00, v53  }
0x49: {  	v42 =	vld [tilespmem:$0x6420];
	s15 =	sadd.s32 $0xC8, s31;
	v43 =	vsub.s32 v61, v41;
	vm0 =	vge.s32 v61, s31;
	v44 =	vsub.s32 v63, v41  }
0x4a: {  	v46 =	vpop (erf);
	vm2 =	vlt.s32 v61, s15;
	vm11 =	vge.s32 v63, s31;
	vm12 =	vlt.s32 v63, s15  }
0x4b: {  	(erf) = vpow2.f32 v28;
	v20 =	vadd.f32 v46, v20;
	vm1 =	vgt.s32 v43, $0x0  }
0x4c: {  	v47 =	vpop (erf);
	vm4 =	vgt.s32 v44, $0x0;
	vm0 =	vmand vm0, vm2;
	vm13 =	vmand vm11, vm12  }
0x4d: {  	v45 =	vld [tilespmem:$0x6430];
	(erf) = vpow2.f32 v32;
	v18 =	vadd.f32 v47, v18;
	v25 =	vnsel vm4, $0x0, v44  }
0x4e: {  	v48 =	vpop (erf);
	v47 =	vsub.s32 v42, v41;
	vm14 =	vge.s32 v42, s31;
	vm15 =	vlt.s32 v42, s15  }
0x4f: {  	v51 =	vld [tilespmem:$0x6460];
	(erf) = vpow2.f32 v33;
	v50 =	vpop (erf);
	v17 =	vadd.f32 v48, v17;
	v25 =	vmin.u32 v25, $0xC7  }
0x50: {  	v46 =	vld [tilespmem:$0x6440];
	vm5 =	vgt.s32 v47, $0x0;
	(erf) = vpow2.f32 v34;
	v16 =	vadd.f32 v50, v16  }
0x51: {  	v52 =	vpop (erf);
	v25 =	vshll.u32 v25, $0x7;
	v31 =	vnsel vm5, $0x0, v47;
	(erf) = vpow2.f32 v55  }
0x52: {  	v48 =	vld [tilespmem:$0x6450];
	v21 =	vadd.f32 v52, v21;
	v25 =	vor.u32 v1, v25;
	v49 =	vsub.s32 v45, v41  }
0x53: {  	v54 =	vpop (erf);
	v31 =	vmin.u32 v31, $0xC7;
	vm4 =	vge.s32 v45, s31;
	vm5 =	vlt.s32 v45, s15  }
0x54: {  	vm12 =	vge.s32 v51, s31;
	v56 =	vpop (erf);
	v19 =	vadd.f32 v54, v19;
	vm6 =	vgt.s32 v49, $0x0  }
0x55: {  	v50 =	vsub.s32 v46, v41;
	v31 =	vshll.u32 v31, $0x7;
	v58 =	vpop (erf);
	v33 =	vnsel vm6, $0x0, v49  }
0x56: {  	v52 =	vld [tilespmem:$0x6470];
	vm7 =	vgt.s32 v50, $0x0;
	v31 =	vor.u32 v2, v31;
	v59 =	vpop (erf);
	(erf) = vpow2.f32 v57  }
0x57: {  	v33 =	vmin.u32 v33, $0xC7;
	v34 =	vnsel vm7, $0x0, v50;
	v37 =	vsub.s32 v48, v41  }
0x58: {  	(erf) = vpow2.f32 v29;
	v33 =	vshll.u32 v33, $0x7;
	v34 =	vmin.u32 v34, $0xC7  }
0x59: {  	v60 =	vpop (erf);
	vm8 =	vgt.s32 v37, $0x0;
	(erf) = vpow2.f32 v30;
	v33 =	vor.u32 v3, v33  }
0x5a: {  	v62 =	vpop (erf);
	v34 =	vshll.u32 v34, $0x7;
	(erf) = vpow2.f32 v24;
	v24 =	vnsel vm1, $0x0, v43  }
0x5b: {  	v37 =	vnsel vm8, $0x0, v37;
	v26 =	vsub.s32 v52, v41;
	v38 =	vpop (erf);
	v24 =	vmin.u32 v24, $0xC7  }
0x5c: {  	v16 =	vadd.f32 v38, v16;
	v38 =	vsub.s32 v51, v41;
	v24 =	vshll.u32 v24, $0x7  }
0x5d: {  	v34 =	vor.u32 v4, v34;
	vm9 =	vgt.s32 v38, $0x0;
	v24 =	vor.u32 v0, v24  }
0x5e: {  	v37 =	vmin.u32 v37, $0xC7;
	vm10 =	vgt.s32 v26, $0x0;
	v38 =	vnsel vm9, $0x0, v38  }
0x5f: {  	v37 =	vshll.u32 v37, $0x7;
	v26 =	vnsel vm10, $0x0, v26;
	v38 =	vmin.u32 v38, $0xC7  }
0x60: {  	v25 =	vld.idx.msk [tilespmem:v25+s2+$0x0], $0xffff;
	v37 =	vor.u32 v5, v37;
	v26 =	vmin.u32 v26, $0xC7;
	v38 =	vshll.u32 v38, $0x7  }
0x61: {  	v23 =	vadd.f32 v56, v23;
	v31 =	vld.idx.msk [tilespmem:v31+s2+$0x0], $0xffff;
	v26 =	vshll.u32 v26, $0x7;
	v54 =	vor.u32 v6, v38  }
0x62: {  	vm6 =	vmand vm4, vm5;
	v22 =	vadd.f32 v58, v22;
	v39 =	vpop (erf);
	v55 =	vor.u32 v7, v26;
	v24 =	vld.idx.msk [tilespmem:v24+s2+$0x0], $0xffff  }
0x63: {  	vm7 =	vge.s32 v46, s31;
	v20 =	vadd.f32 v59, v20;
	v18 =	vadd.f32 v60, v18;
	v40 =	vpop (erf);
	v53 =	vld.idx.msk [tilespmem:v33+s2+$0x0], $0xffff  }
0x64: {  	vm8 =	vlt.s32 v46, s15;
	v17 =	vadd.f32 v62, v17;
	vm10 =	vlt.s32 v48, s15;
	v57 =	vpop (erf);
	v56 =	vld.idx.msk [tilespmem:v34+s2+$0x0], $0xffff  }
0x65: {  	v21 =	vadd.f32 v39, v21;
	v19 =	vadd.f32 v40, v19;
	vm9 =	vge.s32 v48, s31;
	v60 =	vpop (erf);
	v58 =	vld.idx.msk [tilespmem:v37+s2+$0x0], $0xffff  }
0x66: {  	s13 =	sadd.s32 $0x1, s13;
	v14 =	vsel vm13, v25, v14;
	v23 =	vadd.f32 v57, v23;
	vm11 =	vmand vm9, vm10;
	v61 =	vpop (erf);
	v59 =	vld.idx.msk [tilespmem:v54+s2+$0x0], $0xffff  }
0x67: {  	p0 =	sne.s32 s13, $0x5;
	vm13 =	vlt.s32 v51, s15;
	v22 =	vadd.f32 v60, v22;
	v62 =	vpop (erf);
	v15 =	vsel vm0, v24, v15;
	v24 =	vld.idx.msk [tilespmem:v55+s2+$0x0], $0xffff  }
.Ltmp1:
0x68: {  	v20 =	vadd.f32 v61, v20;
	v12 =	vsel vm6, v53, v12;
	v18 =	vadd.f32 v62, v18;
	v63 =	vpop (erf);
	(pc) =	sbr.rel @p0 .LBB2_2-.Ltmp1, $4  }
0x69: {  	v17 =	vadd.f32 v63, v17;
	vm0 =	vmand vm14, vm15;
	vm14 =	vge.s32 v52, s31  }
0x6a: {  	vm15 =	vlt.s32 v52, s15;
	v13 =	vsel vm0, v31, v13;
	vm0 =	vmand vm7, vm8  }
0x6b: {  	vm1 =	vmand vm14, vm15;
	v11 =	vsel vm0, v56, v11;
	vm0 =	vmand vm12, vm13  }
0x6c: {  	v10 =	vsel vm11, v58, v10;
	v9 =	vsel vm0, v59, v9;
	v8 =	vsel vm1, v24, v8  }
0x6d: {  	v24 =	vadd.s32 $0xC0800000, v21  }
0x6e: {  	v24 =	vcvt.s32.f32 v24;
	_ =	sdelay $0x1  }
0x6f: {  	v24 =	vmul.f32 $8.262958320e-08, v24;
	_ =	sdelay $0x1  }
0x70: {  	v25 =	vsub.f32 $0.0e+00, v24;
	_ =	sdelay $0x1  }
0x71: {  	v25 =	vmul.f32 $1.442695020e+00, v25;
	_ =	sdelay $0x1  }
0x72: {  	(erf) = vpow2.f32 v25;
	_ =	sdelay $0x8  }
0x73: {  	v25 =	vpop (erf)  }
0x74: {  	v25 =	vmul.f32 v25, v21;
	_ =	sdelay $0x1  }
0x75: {  	v24 =	vadd.f32 v25, v24;
	_ =	sdelay $0x1  }
0x76: {  	v24 =	vadd.f32 $-1.000000000e+00, v24;
	_ =	sdelay $0x1  }
0x77: {  	v41 =	vsub.f32 $0.0e+00, v24;
	_ =	sdelay $0x1  }
0x78: {  	v25 =	vmul.f32 $1.442695020e+00, v41;
	_ =	sdelay $0x1  }
0x79: {  	(erf) = vpow2.f32 v25;
	_ =	sdelay $0x8  }
0x7a: {  	v25 =	vpop (erf)  }
0x7b: {  	v42 =	vmul.f32 v25, v21;
	_ =	sdelay $0x1  }
0x7c: {  	v43 =	vadd.s32 $0xC0800000, v19;
	v21 =	vadd.f32 v42, v24  }
0x7d: {  	v24 =	vcvt.s32.f32 v43  }
0x7e: {  	v21 =	vadd.f32 $-1.000000000e+00, v21  }
0x7f: {  	v24 =	vmul.f32 $8.262958320e-08, v24  }
0x80: {  	v15 =	vsub.f32 v15, v21  }
0x81: {  	v44 =	vsub.f32 $0.0e+00, v24  }
0x82: {  	v45 =	vmul.f32 $1.442695020e+00, v15  }
0x83: {  	v21 =	vmul.f32 $1.442695020e+00, v44  }
0x84: {  	(erf) = vpow2.f32 v45  }
0x85: {  	(erf) = vpow2.f32 v21;
	_ =	sdelay $0x7  }
0x86: {  	v21 =	vpop (erf)  }
0x87: {  	v46 =	vpop (erf)  }
0x88: {  	v25 =	vmul.f32 v46, v19;
	_ =	sdelay $0x1  }
0x89: {  	v24 =	vadd.f32 v25, v24;
	_ =	sdelay $0x1  }
0x8a: {  	v24 =	vadd.f32 $-1.000000000e+00, v24;
	_ =	sdelay $0x1  }
0x8b: {  	v47 =	vsub.f32 $0.0e+00, v24;
	_ =	sdelay $0x1  }
0x8c: {  	v25 =	vmul.f32 $1.442695020e+00, v47;
	_ =	sdelay $0x1  }
0x8d: {  	(erf) = vpow2.f32 v25;
	_ =	sdelay $0x8  }
0x8e: {  	v25 =	vpop (erf)  }
0x8f: {  	v48 =	vmul.f32 v25, v19;
	_ =	sdelay $0x1  }
0x90: {  	v49 =	vadd.s32 $0xC0800000, v23;
	v19 =	vadd.f32 v48, v24  }
0x91: {  	v24 =	vcvt.s32.f32 v49  }
0x92: {  	v19 =	vadd.f32 $-1.000000000e+00, v19  }
0x93: {  	v24 =	vmul.f32 $8.262958320e-08, v24  }
0x94: {  	v14 =	vsub.f32 v14, v19  }
0x95: {  	v50 =	vsub.f32 $0.0e+00, v24  }
0x96: {  	v51 =	vmul.f32 $1.442695020e+00, v14  }
0x97: {  	v19 =	vmul.f32 $1.442695020e+00, v50  }
0x98: {  	(erf) = vpow2.f32 v51  }
0x99: {  	(erf) = vpow2.f32 v19;
	_ =	sdelay $0x7  }
0x9a: {  	v19 =	vpop (erf)  }
0x9b: {  	v52 =	vpop (erf)  }
0x9c: {  	v25 =	vmul.f32 v52, v23;
	_ =	sdelay $0x1  }
0x9d: {  	v24 =	vadd.f32 v25, v24;
	_ =	sdelay $0x1  }
0x9e: {  	v24 =	vadd.f32 $-1.000000000e+00, v24;
	_ =	sdelay $0x1  }
0x9f: {  	v53 =	vsub.f32 $0.0e+00, v24;
	_ =	sdelay $0x1  }
0xa0: {  	v25 =	vmul.f32 $1.442695020e+00, v53;
	_ =	sdelay $0x1  }
0xa1: {  	(erf) = vpow2.f32 v25;
	_ =	sdelay $0x8  }
0xa2: {  	v25 =	vpop (erf)  }
0xa3: {  	v54 =	vmul.f32 v25, v23;
	_ =	sdelay $0x1  }
0xa4: {  	v55 =	vadd.s32 $0xC0800000, v22;
	v23 =	vadd.f32 v54, v24  }
0xa5: {  	v24 =	vcvt.s32.f32 v55  }
0xa6: {  	v23 =	vadd.f32 $-1.000000000e+00, v23  }
0xa7: {  	v24 =	vmul.f32 $8.262958320e-08, v24  }
0xa8: {  	v13 =	vsub.f32 v13, v23  }
0xa9: {  	v56 =	vsub.f32 $0.0e+00, v24  }
0xaa: {  	v57 =	vmul.f32 $1.442695020e+00, v13  }
0xab: {  	v23 =	vmul.f32 $1.442695020e+00, v56  }
0xac: {  	(erf) = vpow2.f32 v57  }
0xad: {  	(erf) = vpow2.f32 v23;
	_ =	sdelay $0x7  }
0xae: {  	v58 =	vpop (erf)  }
0xaf: {  	v59 =	vpop (erf)  }
0xb0: {  	v25 =	vmul.f32 v59, v22;
	_ =	sdelay $0x1  }
0xb1: {  	v24 =	vadd.f32 v25, v24;
	_ =	sdelay $0x1  }
0xb2: {  	v24 =	vadd.f32 $-1.000000000e+00, v24;
	_ =	sdelay $0x1  }
0xb3: {  	v60 =	vsub.f32 $0.0e+00, v24;
	_ =	sdelay $0x1  }
0xb4: {  	v25 =	vmul.f32 $1.442695020e+00, v60;
	_ =	sdelay $0x1  }
0xb5: {  	(erf) = vpow2.f32 v25;
	_ =	sdelay $0x8  }
0xb6: {  	v25 =	vpop (erf)  }
0xb7: {  	v61 =	vmul.f32 v25, v22;
	_ =	sdelay $0x1  }
0xb8: {  	v62 =	vadd.s32 $0xC0800000, v20;
	v22 =	vadd.f32 v61, v24  }
0xb9: {  	v24 =	vcvt.s32.f32 v62  }
0xba: {  	v22 =	vadd.f32 $-1.000000000e+00, v22  }
0xbb: {  	v24 =	vmul.f32 $8.262958320e-08, v24  }
0xbc: {  	v12 =	vsub.f32 v12, v22  }
0xbd: {  	v63 =	vsub.f32 $0.0e+00, v24  }
0xbe: {  	v28 =	vmul.f32 $1.442695020e+00, v12  }
0xbf: {  	v22 =	vmul.f32 $1.442695020e+00, v63  }
0xc0: {  	(erf) = vpow2.f32 v28  }
0xc1: {  	(erf) = vpow2.f32 v22;
	_ =	sdelay $0x7  }
0xc2: {  	v29 =	vpop (erf)  }
0xc3: {  	v30 =	vpop (erf)  }
0xc4: {  	v25 =	vmul.f32 v30, v20;
	_ =	sdelay $0x1  }
0xc5: {  	v24 =	vadd.f32 v25, v24;
	_ =	sdelay $0x1  }
0xc6: {  	v24 =	vadd.f32 $-1.000000000e+00, v24;
	_ =	sdelay $0x1  }
0xc7: {  	v31 =	vsub.f32 $0.0e+00, v24;
	_ =	sdelay $0x1  }
0xc8: {  	v25 =	vmul.f32 $1.442695020e+00, v31;
	_ =	sdelay $0x1  }
0xc9: {  	(erf) = vpow2.f32 v25;
	_ =	sdelay $0x8  }
0xca: {  	v25 =	vpop (erf)  }
0xcb: {  	v32 =	vmul.f32 v25, v20;
	_ =	sdelay $0x1  }
0xcc: {  	v33 =	vadd.s32 $0xC0800000, v18;
	v20 =	vadd.f32 v32, v24  }
0xcd: {  	v24 =	vcvt.s32.f32 v33  }
0xce: {  	v20 =	vadd.f32 $-1.000000000e+00, v20  }
0xcf: {  	v24 =	vmul.f32 $8.262958320e-08, v24  }
0xd0: {  	v11 =	vsub.f32 v11, v20  }
0xd1: {  	v34 =	vsub.f32 $0.0e+00, v24  }
0xd2: {  	v35 =	vmul.f32 $1.442695020e+00, v11  }
0xd3: {  	v20 =	vmul.f32 $1.442695020e+00, v34  }
0xd4: {  	(erf) = vpow2.f32 v35  }
0xd5: {  	(erf) = vpow2.f32 v20;
	_ =	sdelay $0x7  }
0xd6: {  	v36 =	vpop (erf)  }
0xd7: {  	v37 =	vpop (erf)  }
0xd8: {  	v25 =	vmul.f32 v37, v18;
	_ =	sdelay $0x1  }
0xd9: {  	v24 =	vadd.f32 v25, v24;
	_ =	sdelay $0x1  }
0xda: {  	v24 =	vadd.f32 $-1.000000000e+00, v24;
	_ =	sdelay $0x1  }
0xdb: {  	v38 =	vsub.f32 $0.0e+00, v24;
	_ =	sdelay $0x1  }
0xdc: {  	v25 =	vmul.f32 $1.442695020e+00, v38;
	_ =	sdelay $0x1  }
0xdd: {  	(erf) = vpow2.f32 v25;
	_ =	sdelay $0x8  }
0xde: {  	v25 =	vpop (erf)  }
0xdf: {  	v39 =	vmul.f32 v25, v18;
	_ =	sdelay $0x1  }
0xe0: {  	v40 =	vadd.s32 $0xC0800000, v17;
	v18 =	vadd.f32 v39, v24  }
0xe1: {  	v24 =	vcvt.s32.f32 v40  }
0xe2: {  	v18 =	vadd.f32 $-1.000000000e+00, v18  }
0xe3: {  	v24 =	vmul.f32 $8.262958320e-08, v24  }
0xe4: {  	v10 =	vsub.f32 v10, v18  }
0xe5: {  	v41 =	vsub.f32 $0.0e+00, v24  }
0xe6: {  	v42 =	vmul.f32 $1.442695020e+00, v10  }
0xe7: {  	v18 =	vmul.f32 $1.442695020e+00, v41  }
0xe8: {  	(erf) = vpow2.f32 v42  }
0xe9: {  	(erf) = vpow2.f32 v18;
	_ =	sdelay $0x7  }
0xea: {  	v43 =	vpop (erf)  }
0xeb: {  	v44 =	vpop (erf)  }
0xec: {  	v25 =	vmul.f32 v44, v17;
	_ =	sdelay $0x1  }
0xed: {  	v24 =	vadd.f32 v25, v24;
	_ =	sdelay $0x1  }
0xee: {  	v24 =	vadd.f32 $-1.000000000e+00, v24;
	_ =	sdelay $0x1  }
0xef: {  	v45 =	vsub.f32 $0.0e+00, v24;
	_ =	sdelay $0x1  }
0xf0: {  	v25 =	vmul.f32 $1.442695020e+00, v45;
	_ =	sdelay $0x1  }
0xf1: {  	(erf) = vpow2.f32 v25;
	_ =	sdelay $0x8  }
0xf2: {  	v25 =	vpop (erf)  }
0xf3: {  	v46 =	vmul.f32 v25, v17;
	_ =	sdelay $0x1  }
0xf4: {  	v47 =	vadd.s32 $0xC0800000, v16;
	v17 =	vadd.f32 v46, v24  }
0xf5: {  	v24 =	vcvt.s32.f32 v47  }
0xf6: {  	v17 =	vadd.f32 $-1.000000000e+00, v17  }
0xf7: {  	v24 =	vmul.f32 $8.262958320e-08, v24  }
0xf8: {  	v9 =	vsub.f32 v9, v17  }
0xf9: {  	v48 =	vsub.f32 $0.0e+00, v24  }
0xfa: {  	v49 =	vmul.f32 $1.442695020e+00, v9  }
0xfb: {  	v17 =	vmul.f32 $1.442695020e+00, v48  }
0xfc: {  	(erf) = vpow2.f32 v49  }
0xfd: {  	(erf) = vpow2.f32 v17;
	_ =	sdelay $0x7  }
0xfe: {  	v50 =	vpop (erf)  }
0xff: {  	v51 =	vpop (erf)  }
0x100: {  	v25 =	vmul.f32 v51, v16;
	_ =	sdelay $0x1  }
0x101: {  	v24 =	vadd.f32 v25, v24;
	_ =	sdelay $0x1  }
0x102: {  	v24 =	vadd.f32 $-1.000000000e+00, v24;
	_ =	sdelay $0x1  }
0x103: {  	v52 =	vsub.f32 $0.0e+00, v24;
	_ =	sdelay $0x1  }
0x104: {  	v25 =	vmul.f32 $1.442695020e+00, v52;
	_ =	sdelay $0x1  }
0x105: {  	(erf) = vpow2.f32 v25;
	_ =	sdelay $0x8  }
0x106: {  	v25 =	vpop (erf)  }
0x107: {  	v53 =	vmul.f32 v25, v16;
	_ =	sdelay $0x1  }
0x108: {  	v16 =	vadd.f32 v53, v24;
	_ =	sdelay $0x1  }
0x109: {  	v16 =	vadd.f32 $-1.000000000e+00, v16;
	_ =	sdelay $0x1  }
0x10a: {  	v8 =	vsub.f32 v8, v16;
	_ =	sdelay $0x1  }
0x10b: {  	v16 =	vmul.f32 $1.442695020e+00, v8;
	_ =	sdelay $0x1  }
0x10c: {  	(erf) = vpow2.f32 v16;
	_ =	sdelay $0x2  }
0x10d: {  	v19 =	vsub.f32 $1.000000000e+00, v19  }
0x10e: {  	v55 =	vsub.f32 $1.000000000e+00, v58  }
0x10f: {  	v19 =	vmul.f32 v19, v19;
	v22 =	vsub.f32 $1.000000000e+00, v29  }
0x110: {  	v56 =	vmul.f32 v55, v55;
	v20 =	vsub.f32 $1.000000000e+00, v36  }
0x111: {  	v14 =	vmul.f32 v19, v14;
	v57 =	vmul.f32 v22, v22;
	v18 =	vsub.f32 $1.000000000e+00, v43  }
0x112: {  	v13 =	vmul.f32 v56, v13;
	v58 =	vmul.f32 v20, v20;
	v59 =	vsub.f32 $1.000000000e+00, v50  }
0x113: {  	[tilespmem:$0x6490] =	vst v14;
	v54 =	vsub.f32 $1.000000000e+00, v21;
	v12 =	vmul.f32 v57, v12;
	v61 =	vmul.f32 v18, v18;
	v60 =	vpop (erf)  }
0x114: {  	[tilespmem:$0x64A0] =	vst v13;
	v11 =	vmul.f32 v58, v11;
	v62 =	vmul.f32 v59, v59;
	v17 =	vsub.f32 $1.000000000e+00, v60  }
0x115: {  	[tilespmem:$0x64B0] =	vst v12;
	v10 =	vmul.f32 v61, v10;
	v16 =	vmul.f32 v54, v54  }
0x116: {  	[tilespmem:$0x64C0] =	vst v11;
	v9 =	vmul.f32 v62, v9;
	v63 =	vmul.f32 v17, v17  }
0x117: {  	[tilespmem:$0x64D0] =	vst v10;
	v15 =	vmul.f32 v16, v15  }
0x118: {  	s12 =	sadd.s32 $0x1, s12;
	[tilespmem:$0x64E0] =	vst v9;
	v8 =	vmul.f32 v63, v8  }
0x119: {  	p0 =	sne.s32 s12, s6;
	[tilespmem:$0x6480] =	vst v15  }
.Ltmp2:
0x11a: {  	[tilespmem:$0x64F0] =	vst v8;
	(pc) =	sbr.rel @p0 .LBB2_1-.Ltmp2, $4  }
0x11b: {  	[hbm4b:s5+s2] =	stream.linear.scatter [tilespmem:s11], [sflag:$0x1], $0x80, $0x38;
	[tilespmem:$0x6500] =	vst v63  }
0x11c: {  	_ =	swait.ge [sflag:s8], $0x80  }
0x11d: {  	[sflag:s8] =	ssyncset.done $0x0  }
0x11e: {  	[sflag:s8] =	ssyncadd.s32 $0xFFFFFF80  }
0x11f: {  	_ =	sfence.sel $0x180000  }
0x120: {  	[bflag:$0x0] =	sbarrier.arrive $0xFFFF  }
0x121: {  	p0 =	sne.s32 s1, $0x0;
	_ =	strace $0x90000047  }
0x122: {  	s0 =	sadd.s32 @!p0 $0x100000, s0;
	[bflag:$0x2] =	sbarrier.arrive $0xFFFF  }
0x123: {  	[sflag:s0] =	ssyncadd.tile.s32 @!p0 $0x1;
	_ =	shalt  }
.Lfunc_end2:
_tile_overlayer_lowered:
.L_overlay_start_2:
0x124: {  	(tag) =	ssettag $0x2  }
0x125: {  	s0 =	rddreg [dreg:$0x0];
	s2 =	stileid.u32  }
0x126: {  	s1 =	rddreg [dreg:$0x1];
	p0 =	sne.s32 s2, $0x0  }
0x127: {  	s3 =	rddreg [dreg:$0x2];
	[bflag:$0x3] =	sbarrier.arrive $0xFFFF;
	s2 =	simm.s32 @!p0 $0x1C01  }
0x128: {  	[timem:s3], [sflag:s2] =	dma.local @!p0 [hbm:s0], s1  }
0x129: {  	s0 =	simm.s32 @!p0 $0x1  }
0x12a: {  	_ =	swait.ge @!p0 [sflag:s0], s1  }
0x12b: {  	s1 =	ssub.s32 @!p0 $0x0, s1;
	[sflag:s0] =	ssyncset.done @!p0 $0x0  }
0x12c: {  	[sflag:s0] =	ssyncadd.s32 @!p0 s1  }
0x12d: {  	[bflag:$0x3] =	sbarrier.arrive $0xFFFF  }
0x12e: {  	_ =	shalt  }

</sc_bundles>
